<compile_context>
chip_gen: v7x
topology: tpu7x:2x2x1
jax: 0.10.2.dev20260603
libtpu: 0.0.44.dev20260713+nightly
codegen_flags: <defaults>
</compile_context>

<pallas_src>
import functools

import jax
import jax.numpy as jnp
import numpy as np
from jax import lax
from jax.experimental import pallas as pl
from jax.experimental.pallas import tpu as pltpu
from jax.experimental.pallas import tpu_sc as plsc

_BATCH = 256
_NUM_FG = 128



def _wh_ctrs(a):
    w = a[2] - a[0] + 1.0
    h = a[3] - a[1] + 1.0
    return w, h, a[0] + 0.5 * (w - 1.0), a[1] + 0.5 * (h - 1.0)


def _mk_anchors(ws, hs, xc, yc):
    ws = ws[:, None]
    hs = hs[:, None]
    return np.hstack(
        [xc - 0.5 * (ws - 1.0), yc - 0.5 * (hs - 1.0),
         xc + 0.5 * (ws - 1.0), yc + 0.5 * (hs - 1.0)])


def _base_anchors(base_size=16):
    ratios = np.array([0.5, 1.0, 2.0])
    scales = np.array([8.0, 16.0, 32.0])
    base = np.array([1.0, 1.0, float(base_size), float(base_size)]) - 1.0
    w, h, xc, yc = _wh_ctrs(base)
    ws = np.round(np.sqrt(w * h / ratios))
    hs = np.round(ws * ratios)
    ra = _mk_anchors(ws, hs, xc, yc)
    outs = []
    for i in range(ra.shape[0]):
        w, h, xc, yc = _wh_ctrs(ra[i])
        outs.append(_mk_anchors(w * scales, h * scales, xc, yc))
    return np.vstack(outs).astype(np.float32)


def _anchor_grid(shape, stride):
    rr, cc = shape
    sx, sy = np.meshgrid(np.arange(0, rr) * stride, np.arange(0, cc) * stride)
    shifts = np.stack(
        [sx.ravel(), sy.ravel(), sx.ravel(), sy.ravel()], axis=0).T.astype(np.float32)
    base = _base_anchors(16)
    a_count = base.shape[0]
    k_count = shifts.shape[0]
    return (base.reshape(1, a_count, 4)
            + shifts.reshape(k_count, 1, 4)).reshape(k_count * a_count, 4)


_FMAP = 128
_N = _FMAP * _FMAP * 9
_ROWS = _N // 128
_M = 128

_ANCH = _anchor_grid((_FMAP, _FMAP), 16)
_AX0 = _ANCH[:, 0].reshape(_ROWS, 128)
_AY0 = _ANCH[:, 1].reshape(_ROWS, 128)
_AX1 = _ANCH[:, 2].reshape(_ROWS, 128)
_AY1 = _ANCH[:, 3].reshape(_ROWS, 128)



def _threefry_raw(kd, c0, c1):
    k0 = np.uint32(kd[0])
    k1 = np.uint32(kd[1])
    ks2 = k0 ^ k1 ^ np.uint32(0x1BD11BDA)

    def rotl(v, d):
        return (v << np.uint32(d)) | (v >> np.uint32(32 - d))

    def rounds(x0, x1, rots):
        for d in rots:
            x0 = (x0 + x1).astype(np.uint32)
            x1 = rotl(x1, d)
            x1 = x1 ^ x0
        return x0, x1

    ra = (13, 15, 26, 6)
    rb = (17, 29, 16, 24)
    x0 = (c0 + k0).astype(np.uint32)
    x1 = (c1 + k1).astype(np.uint32)
    x0, x1 = rounds(x0, x1, ra)
    x0 = (x0 + k1).astype(np.uint32)
    x1 = (x1 + ks2 + np.uint32(1)).astype(np.uint32)
    x0, x1 = rounds(x0, x1, rb)
    x0 = (x0 + ks2).astype(np.uint32)
    x1 = (x1 + k0 + np.uint32(2)).astype(np.uint32)
    x0, x1 = rounds(x0, x1, ra)
    x0 = (x0 + k0).astype(np.uint32)
    x1 = (x1 + k1 + np.uint32(3)).astype(np.uint32)
    x0, x1 = rounds(x0, x1, rb)
    x0 = (x0 + k1).astype(np.uint32)
    x1 = (x1 + ks2 + np.uint32(4)).astype(np.uint32)
    x0, x1 = rounds(x0, x1, ra)
    x0 = (x0 + ks2).astype(np.uint32)
    x1 = (x1 + k0 + np.uint32(5)).astype(np.uint32)
    return x0, x1


def _threefry_hash(kd, n):
    j = np.arange(n, dtype=np.uint32)
    h0, h1 = _threefry_raw(kd, np.zeros(n, np.uint32), j)
    return h0 ^ h1


def _split_key(kd):
    h0, h1 = _threefry_raw(kd, np.zeros(2, np.uint32),
                           np.arange(2, dtype=np.uint32))
    return np.stack([h0, h1], axis=1)


def _subsample_keys():
    if not bool(jax.config.jax_threefry_partitionable):
        raise NotImplementedError("requires partitionable threefry bits")
    root = np.array([0, 42], np.uint32)
    k_pos, k_neg = _split_key(root)
    out = []
    for k in (k_pos, k_neg):
        k, sub1 = _split_key(k)
        _, sub2 = _split_key(k)
        out.append(sub1)
        out.append(sub2)
    return out


def _perm_tables():
    tables = []
    for kd in _subsample_keys():
        bits = _threefry_hash(kd, _N)
        order = np.argsort(bits, kind="stable").astype(np.int32)
        inv = np.empty(_N, np.int32)
        inv[order] = np.arange(_N, dtype=np.int32)
        tables.append((order, inv))
    return tables


(_P1, _P1I), (_P2, _P2I), (_G1, _G1I), (_G2, _G2I) = _perm_tables()

_P1IP, _P2IP, _G1IP, _G2IP = (
    np.concatenate([t, np.zeros(8, np.int32)]) for t in (_P1I, _P2I, _G1I, _G2I))


_BR = 64
_GRID = _ROWS // _BR

_P1YMIN = _AY0.reshape(_GRID, -1).min(axis=1).reshape(1, _GRID)
_P1YMAX = _AY1.reshape(_GRID, -1).max(axis=1).reshape(1, _GRID)


def _anchor_kernel(gt_ref, meta_ref, yb0_ref, yb1_ref,
                   x0_ref, y0_ref, x1_ref, y1_ref,
                   maxov_ref, lb_ref, inside_ref,
                   bb0_ref, bb1_ref, bb2_ref, bb3_ref):
    i = pl.program_id(0)
    ymin = yb0_ref[0, i]
    ymax = yb1_ref[0, i]
    x0 = x0_ref[...]
    y0 = y0_ref[...]
    x1 = x1_ref[...]
    y1 = y1_ref[...]
    area_a = (x1 - x0 + 1.0) * (y1 - y0 + 1.0)
    shp = x0.shape

    def body(j, carry):
        bx0 = gt_ref[j, 0]
        by0 = gt_ref[j, 1]
        bx1 = gt_ref[j, 2]
        by1 = gt_ref[j, 3]
        skip = (by1 + 1.0 <= ymin) | (by0 >= ymax + 1.0)

        def compute(carry):
            best, c0, c1, c2, c3 = carry
            area_b = (bx1 - bx0 + 1.0) * (by1 - by0 + 1.0)
            iw = jnp.minimum(x1, bx1) - jnp.maximum(x0, bx0) + 1.0
            ih = jnp.minimum(y1, by1) - jnp.maximum(y0, by0) + 1.0
            iw = jnp.maximum(iw, 0.0)
            ih = jnp.maximum(ih, 0.0)
            inter = iw * ih
            ua = area_a + area_b - inter
            iou = inter / jnp.maximum(ua, 1e-8)
            upd = iou > best
            best = jnp.where(upd, iou, best)
            c0 = jnp.where(upd, bx0, c0)
            c1 = jnp.where(upd, by0, c1)
            c2 = jnp.where(upd, bx1, c2)
            c3 = jnp.where(upd, by1, c3)
            return best, c0, c1, c2, c3

        return lax.cond(skip, lambda c: c, compute, carry)

    zero = jnp.zeros(shp, jnp.float32)
    init = (zero, jnp.full(shp, gt_ref[0, 0]), jnp.full(shp, gt_ref[0, 1]),
            jnp.full(shp, gt_ref[0, 2]), jnp.full(shp, gt_ref[0, 3]))
    best, c0, c1, c2, c3 = jax.lax.fori_loop(0, _M, body, init)

    maxov_ref[...] = best
    lb = jnp.full(shp, -1.0, jnp.float32)
    lb = jnp.where(best < 0.3, 0.0, lb)
    lb = jnp.where(best >= 0.7, 1.0, lb)
    lb_ref[...] = lb
    inside_ref[...] = jnp.where(
        (x0 >= 0.0) & (y0 >= 0.0) & (x1 < meta_ref[0, 1]) & (y1 < meta_ref[0, 0]),
        1.0, 0.0)

    ew = x1 - x0 + 1.0
    eh = y1 - y0 + 1.0
    ecx = x0 + 0.5 * ew
    ecy = y0 + 0.5 * eh
    gw = c2 - c0 + 1.0
    gh = c3 - c1 + 1.0
    gcx = c0 + 0.5 * gw
    gcy = c1 + 0.5 * gh
    bb0_ref[...] = (gcx - ecx) / ew
    bb1_ref[...] = (gcy - ecy) / eh
    bb2_ref[...] = jnp.log(gw / ew)
    bb3_ref[...] = jnp.log(gh / eh)


_P2BR = 128
_P2STEPS = _ROWS // _P2BR

_P2YMIN = _AY0.reshape(_P2STEPS, -1).min(axis=1).reshape(1, _P2STEPS)
_P2YMAX = _AY1.reshape(_P2STEPS, -1).max(axis=1).reshape(1, _P2STEPS)


def _gt_kernel(gt_ref, yb0_ref, yb1_ref, x0_ref, y0_ref, x1_ref, y1_ref,
               gmax_out, gidx_out, gmax_ref, gidx_ref):
    j = pl.program_id(0)
    bx0 = gt_ref[j, 0]
    by0 = gt_ref[j, 1]
    bx1 = gt_ref[j, 2]
    by1 = gt_ref[j, 3]
    area_b = (bx1 - bx0 + 1.0) * (by1 - by0 + 1.0)
    sub8 = jax.lax.broadcasted_iota(jnp.int32, (_P2BR, 128), 0) * 128
    lane8 = jax.lax.broadcasted_iota(jnp.int32, (_P2BR, 128), 1)
    pos_iota = sub8 + lane8

    @pl.when(j == 0)
    def _():
        gmax_ref[...] = jnp.full((1, 128), -1.0, jnp.float32)
        gidx_ref[...] = jnp.zeros((1, 128), jnp.int32)

    def body(r, carry):
        skip = (by1 + 1.0 <= yb0_ref[0, r]) | (by0 >= yb1_ref[0, r] + 1.0)

        def compute(carry):
            acc, aidx = carry
            return _gt_block(r, acc, aidx)

        return lax.cond(skip, lambda c: c, compute, carry)

    def _gt_block(r, acc, aidx):
        sl = (pl.ds(r * _P2BR, _P2BR), slice(None))
        x0 = x0_ref[sl]
        y0 = y0_ref[sl]
        x1 = x1_ref[sl]
        y1 = y1_ref[sl]
        area_a = (x1 - x0 + 1.0) * (y1 - y0 + 1.0)
        iw = jnp.minimum(x1, bx1) - jnp.maximum(x0, bx0) + 1.0
        ih = jnp.minimum(y1, by1) - jnp.maximum(y0, by0) + 1.0
        iw = jnp.maximum(iw, 0.0)
        ih = jnp.maximum(ih, 0.0)
        inter = iw * ih
        ua = area_a + area_b - inter
        iou = inter / jnp.maximum(ua, 1e-8)
        upd = iou > acc
        acc = jnp.where(upd, iou, acc)
        aidx = jnp.where(upd, pos_iota + r * (_P2BR * 128), aidx)
        return acc, aidx

    init = (jnp.full((_P2BR, 128), -1.0, jnp.float32),
            jnp.zeros((_P2BR, 128), jnp.int32))
    acc, aidx = jax.lax.fori_loop(0, _P2STEPS, body, init)

    m = jnp.max(acc)
    bidx = jnp.min(jnp.where(acc == m, aidx, _N))
    lane = jax.lax.broadcasted_iota(jnp.int32, (1, 128), 1)
    sel = lane == j
    gmax_ref[...] = jnp.where(sel, m, gmax_ref[...])
    gidx_ref[...] = jnp.where(sel, bidx, gidx_ref[...])

    @pl.when(j == _M - 1)
    def _():
        gmax_out[...] = gmax_ref[...]
        gidx_out[...] = gidx_ref[...]


def _run_iou(gt, meta):
    plane = jax.ShapeDtypeStruct((_ROWS, 128), jnp.float32)
    blk = pl.BlockSpec((_BR, 128), lambda i: (i, 0))
    ax0 = jnp.asarray(_AX0)
    ay0 = jnp.asarray(_AY0)
    ax1 = jnp.asarray(_AX1)
    ay1 = jnp.asarray(_AY1)
    p1 = pl.pallas_call(
        _anchor_kernel,
        grid=(_GRID,),
        in_specs=[
            pl.BlockSpec(memory_space=pltpu.SMEM),
            pl.BlockSpec(memory_space=pltpu.SMEM),
            pl.BlockSpec(memory_space=pltpu.SMEM),
            pl.BlockSpec(memory_space=pltpu.SMEM),
            blk, blk, blk, blk,
        ],
        out_specs=(blk,) * 7,
        out_shape=(plane,) * 7,
    )(gt, meta, jnp.asarray(_P1YMIN), jnp.asarray(_P1YMAX),
      ax0, ay0, ax1, ay1)

    whole = pl.BlockSpec((_ROWS, 128), lambda j: (0, 0))
    p2 = pl.pallas_call(
        _gt_kernel,
        grid=(_M,),
        in_specs=[pl.BlockSpec(memory_space=pltpu.SMEM),
                  pl.BlockSpec(memory_space=pltpu.SMEM),
                  pl.BlockSpec(memory_space=pltpu.SMEM),
                  whole, whole, whole, whole],
        out_specs=(pl.BlockSpec((1, 128), lambda j: (0, 0)),
                   pl.BlockSpec((1, 128), lambda j: (0, 0))),
        out_shape=(jax.ShapeDtypeStruct((1, 128), jnp.float32),
                   jax.ShapeDtypeStruct((1, 128), jnp.int32)),
        scratch_shapes=[
            pltpu.VMEM((1, 128), jnp.float32),
            pltpu.VMEM((1, 128), jnp.int32),
        ],
    )(gt, jnp.asarray(_P2YMIN), jnp.asarray(_P2YMAX), ax0, ay0, ax1, ay1)
    return p1 + p2



_NW = 32
_CH = _N // _NW


_FLAT_I = jax.ShapeDtypeStruct((_N,), jnp.int32)
_SC_MESH = dict(core_axis_name="c", subcore_axis_name="s")


_NB = 4
_BL = _CH // _NB


def _sc_main_body(qp_hbm, qn_hbm, c1n_hbm, i1p_hbm, i1n_hbm, i2n_hbm,
                  tp_hbm, tn_hbm, un_hbm, *scr):
    qn_v = scr[0:_NB]
    tn_v = scr[_NB:2 * _NB]
    r1_v = scr[2 * _NB:3 * _NB]
    un_v = scr[3 * _NB:4 * _NB]
    qp_v = scr[4 * _NB:5 * _NB]
    tp_v = scr[5 * _NB:6 * _NB]
    sh_i1p, sh_i1n, sh_i2n, sh_c1n = scr[6 * _NB:6 * _NB + 4]
    sem_in, sem_g1, sem_g2, sem_g3, sem_pin, sem_pg = scr[6 * _NB + 4:]
    sid = lax.axis_index("s")
    wid = sid * 2 + lax.axis_index("c")

    @pl.when(sid == 0)
    def _():
        pltpu.sync_copy(i1p_hbm, sh_i1p)
    @pl.when(sid == 1)
    def _():
        pltpu.sync_copy(i1n_hbm, sh_i1n)
    @pl.when(sid == 2)
    def _():
        pltpu.sync_copy(i2n_hbm, sh_i2n)
    @pl.when(sid == 3)
    def _():
        pltpu.sync_copy(c1n_hbm, sh_c1n)
    plsc.subcore_barrier()

    def bsl(b):
        return pl.ds(wid * _CH + b * _BL, _BL)

    in_n = [pltpu.make_async_copy(qn_hbm.at[bsl(b)], qn_v[b], sem_in)
            for b in range(_NB)]
    in_p = [pltpu.make_async_copy(qp_hbm.at[bsl(b)], qp_v[b], sem_pin)
            for b in range(_NB)]
    for b in range(_NB):
        in_n[b].start()
        in_p[b].start()
    g1 = [pltpu.make_async_copy(sh_i1n.at[qn_v[b]], tn_v[b], sem_g1)
          for b in range(_NB)]
    gp = [pltpu.make_async_copy(sh_i1p.at[qp_v[b]], tp_v[b], sem_pg)
          for b in range(_NB)]
    for b in range(_NB):
        in_n[b].wait()
        g1[b].start()
        in_p[b].wait()
        gp[b].start()
    g2 = [pltpu.make_async_copy(sh_c1n.at[tn_v[b]], r1_v[b], sem_g2)
          for b in range(_NB)]
    out_t = [pltpu.make_async_copy(tn_v[b], tn_hbm.at[bsl(b)], sem_in)
             for b in range(_NB)]
    out_p = [pltpu.make_async_copy(tp_v[b], tp_hbm.at[bsl(b)], sem_pin)
             for b in range(_NB)]
    for b in range(_NB):
        g1[b].wait()
        g2[b].start()
        out_t[b].start()
        gp[b].wait()
        out_p[b].start()
    g3 = [pltpu.make_async_copy(sh_i2n.at[r1_v[b]], un_v[b], sem_g3)
          for b in range(_NB)]
    out_u = [pltpu.make_async_copy(un_v[b], un_hbm.at[bsl(b)], sem_g2)
             for b in range(_NB)]
    for b in range(_NB):
        g2[b].wait()
        g3[b].start()
    for b in range(_NB):
        g3[b].wait()
        out_u[b].start()
    for b in range(_NB):
        out_t[b].wait()
        out_p[b].wait()
        out_u[b].wait()


def _sc_pos2_body(tp_hbm, c1p_hbm, i2p_hbm, up_hbm, idx_v, buf_v):
    wid = lax.axis_index("s") * 2 + lax.axis_index("c")
    sl = pl.ds(wid * _CH, _CH)
    pltpu.sync_copy(tp_hbm.at[sl], buf_v)
    pltpu.sync_copy(c1p_hbm.at[buf_v], idx_v)
    pltpu.sync_copy(i2p_hbm.at[idx_v], buf_v)
    pltpu.sync_copy(buf_v, up_hbm.at[sl])


def _sc_scratch():
    return [pltpu.VMEM((_CH,), jnp.int32), pltpu.VMEM((_CH,), jnp.int32)]


def _sc_ranks(qp, qn, c1p, c1n, n1):
    mesh = plsc.VectorSubcoreMesh(**_SC_MESH)
    t_p, t_n, u_n = pl.kernel(
        _sc_main_body, out_type=(_FLAT_I,) * 3, mesh=mesh,
        scratch_types=[pltpu.VMEM((_BL,), jnp.int32)] * (6 * _NB)
        + [pltpu.VMEM_SHARED((_N + 8,), jnp.int32)] * 3
        + [pltpu.VMEM_SHARED((_N,), jnp.int32)]
        + [pltpu.SemaphoreType.DMA] * 6,
    )(qp, qn, c1n, jnp.asarray(_P1IP), jnp.asarray(_G1IP), jnp.asarray(_G2IP))

    def pos2(tp):
        return pl.kernel(
            _sc_pos2_body, out_type=_FLAT_I, mesh=plsc.VectorSubcoreMesh(**_SC_MESH),
            scratch_types=_sc_scratch(),
        )(tp, c1p, jnp.asarray(_P2IP))

    u_p = lax.cond(n1 >= 1626, pos2, lambda tp: jnp.zeros((_N,), jnp.int32), t_p)
    return t_p, u_p, t_n, u_n




def _perm_rank(q, n, order, inv, order2, inv2):
    c1 = jnp.cumsum((order < n).astype(jnp.int32)) - (order < n)
    r1 = c1[inv[jnp.minimum(q, _N - 1)]]
    c2 = jnp.cumsum((order2 < n).astype(jnp.int32)) - (order2 < n)
    r2 = c2[inv2[jnp.minimum(r1, _N - 1)]]
    return jnp.where(n >= 1626, r2, r1)


def kernel(scores, gt_boxes, metadata):
    del scores
    gt = gt_boxes[0]
    meta = metadata[0].reshape(1, 3)

    (maxov, lb, inside, bb0, bb1, bb2, bb3, _gmax, gidx) = _run_iou(gt, meta)
    del maxov

    lbf = lb.reshape(_N)
    inside_f = inside.reshape(_N) > 0.5

    ingt = jnp.zeros((_N,), jnp.bool_).at[gidx.reshape(_M)].set(True)
    labels = jnp.where(ingt, 1.0, lbf)

    pos = labels == 1.0
    neg = labels == 0.0
    pos_i = pos.astype(jnp.int32)
    neg_i = neg.astype(jnp.int32)
    n1 = jnp.sum(pos_i)
    n0 = jnp.sum(neg_i)
    q_pos = jnp.cumsum(pos_i) - pos_i
    q_neg = jnp.cumsum(neg_i) - neg_i

    def excl_cumsum_mask(order, n):
        m = (order < n).astype(jnp.int32)
        return jnp.cumsum(m) - m

    c1p = excl_cumsum_mask(jnp.asarray(_P1), n1)
    c2p = excl_cumsum_mask(jnp.asarray(_P2), n1)
    c1n = excl_cumsum_mask(jnp.asarray(_G1), n0)
    c2n = excl_cumsum_mask(jnp.asarray(_G2), n0)

    size1 = n1 - _NUM_FG
    num_bg = _BATCH - jnp.minimum(n1, _NUM_FG)
    size0 = n0 - num_bg

    tp1 = jnp.sum((c1p < size1).astype(jnp.int32))
    tp2 = jnp.sum((c2p < size1).astype(jnp.int32))
    tn1 = jnp.sum((c1n < size0).astype(jnp.int32))
    tn2 = jnp.sum((c2n < size0).astype(jnp.int32))

    t_p, u_p, t_n, u_n = _sc_ranks(
        jnp.minimum(q_pos, _N - 1), jnp.minimum(q_neg, _N - 1), c1p, c1n, n1)

    dis_pos = jnp.where(n1 >= 1626, u_p < tp2, t_p < tp1)
    dis_neg = jnp.where(n0 >= 1626, u_n < tn2, t_n < tn1)
    dis = (pos & dis_pos) | (neg & dis_neg)
    labels = jnp.where(dis, -1.0, labels)
    labels = jnp.where(inside_f, labels, -1.0)

    bbox = jnp.stack(
        [bb0.reshape(_N), bb1.reshape(_N), bb2.reshape(_N), bb3.reshape(_N)],
        axis=1)
    return labels[None, :], bbox[None, :, :]

# --- scband reference (transcript-rebuilt; emitter-appended) ---
"""Pipeline reference for scband-anchor-target-81252191306680 (READ-ONLY COPY).

The authoritative reference and input builder live on the scoring server;
editing this copy changes nothing except your own understanding.
"""

import jax, jax.numpy as jnp
import numpy as np

RPN_BATCHSIZE = 256
RPN_FG_FRACTION = 0.5

def _whctrs(a):
    w = a[2] - a[0] + 1.0
    h = a[3] - a[1] + 1.0
    return w, h, a[0] + 0.5 * (w - 1.0), a[1] + 0.5 * (h - 1.0)

def _mkanchors(ws, hs, xc, yc):
    ws = ws[:, None]; hs = hs[:, None]
    return np.hstack([xc - 0.5 * (ws - 1.0), yc - 0.5 * (hs - 1.0), xc + 0.5 * (ws - 1.0), yc + 0.5 * (hs - 1.0)])

def _ratio_enum(a, ratios):
    w, h, xc, yc = _whctrs(a)
    ws = np.round(np.sqrt(w * h / ratios))
    hs = np.round(ws * ratios)
    return _mkanchors(ws, hs, xc, yc)

def _scale_enum(a, scales):
    w, h, xc, yc = _whctrs(a)
    return _mkanchors(w * scales, h * scales, xc, yc)

def _generate_anchors(base_size=16):
    ratios = np.array([0.5, 1.0, 2.0]); scales = np.array([8.0, 16.0, 32.0])
    base = np.array([1.0, 1.0, float(base_size), float(base_size)]) - 1.0
    ra = _ratio_enum(base, ratios)
    return np.vstack([_scale_enum(ra[i], scales) for i in range(ra.shape[0])]).astype(np.float32)

def _shift(shape, stride):
    rr, cc = shape
    sx, sy = np.meshgrid(np.arange(0, rr) * stride, np.arange(0, cc) * stride)
    shifts = np.stack([sx.ravel(), sy.ravel(), sx.ravel(), sy.ravel()], axis=0).T.astype(np.float32)
    base = _generate_anchors(16)
    A = base.shape[0]; K = shifts.shape[0]
    return (base.reshape(1, A, 4) + shifts.reshape(K, 1, 4)).reshape(K * A, 4)

def _overlap(a, b):
    area = (b[:, 2] - b[:, 0] + 1.0) * (b[:, 3] - b[:, 1] + 1.0)
    iw = jnp.minimum(a[:, 2][:, None], b[None, :, 2]) - jnp.maximum(a[:, 0][:, None], b[None, :, 0]) + 1.0
    ih = jnp.minimum(a[:, 3][:, None], b[None, :, 3]) - jnp.maximum(a[:, 1][:, None], b[None, :, 1]) + 1.0
    iw = jnp.maximum(iw, 0.0); ih = jnp.maximum(ih, 0.0)
    ua = ((a[:, 2] - a[:, 0] + 1.0) * (a[:, 3] - a[:, 1] + 1.0))[:, None] + area[None, :] - iw * ih
    return iw * ih / jnp.maximum(ua, 1e-8)

def _threefry2x32(kd, c0, c1):
    k0 = kd[0]
    k1 = kd[1]
    ks2 = k0 ^ k1 ^ np.uint32(0x1BD11BDA)
    def rotl(v, d):
        return (v << np.uint32(d)) | (v >> np.uint32(32 - d))
    def rounds(x0, x1, rots):
        for d in rots:
            x0 = x0 + x1
            x1 = rotl(x1, d)
            x1 = x1 ^ x0
        return x0, x1
    ra = (13, 15, 26, 6)
    rb = (17, 29, 16, 24)
    x0 = c0 + k0
    x1 = c1 + k1
    x0, x1 = rounds(x0, x1, ra)
    x0 = x0 + k1
    x1 = x1 + ks2 + np.uint32(1)
    x0, x1 = rounds(x0, x1, rb)
    x0 = x0 + ks2
    x1 = x1 + k0 + np.uint32(2)
    x0, x1 = rounds(x0, x1, ra)
    x0 = x0 + k0
    x1 = x1 + k1 + np.uint32(3)
    x0, x1 = rounds(x0, x1, rb)
    x0 = x0 + k1
    x1 = x1 + ks2 + np.uint32(4)
    x0, x1 = rounds(x0, x1, ra)
    x0 = x0 + ks2
    x1 = x1 + k0 + np.uint32(5)
    return x0, x1

def _bits32(kd, n, cap):
    j = jnp.arange(cap, dtype=jnp.uint32)
    if bool(jax.config.jax_threefry_partitionable):
        h0, h1 = _threefry2x32(kd, jnp.zeros_like(j), j)
        return h0 ^ h1
    m = ((n + 1) // 2).astype(jnp.uint32)
    nn = n.astype(jnp.uint32)
    first = j < m
    i = jnp.where(first, j, j - m)
    c1 = jnp.where(i + m < nn, i + m, np.uint32(0))
    h0, h1 = _threefry2x32(kd, i, c1)
    return jnp.where(first, h0, h1)

def _permute_first_n(key, vals, n, cap):
    maxu = np.uint32(0xFFFFFFFF)
    valid = jnp.arange(cap) < n
    key, sub = jax.random.split(key)
    b1 = jnp.where(valid, _bits32(jax.random.key_data(sub), n, cap), maxu)
    _, v1 = jax.lax.sort_key_val(b1, vals)
    x1 = jnp.where(n >= 2, v1, vals)
    key, sub = jax.random.split(key)
    b2 = jnp.where(valid, _bits32(jax.random.key_data(sub), n, cap), maxu)
    _, v2 = jax.lax.sort_key_val(b2, x1)
    return jnp.where(n >= 1626, v2, x1)

def _subsample_positive(labels, key):
    num_fg = int(RPN_FG_FRACTION * RPN_BATCHSIZE)
    N = labels.shape[0]
    fg = jnp.nonzero(labels == 1, size=N, fill_value=N)[0]
    n = jnp.sum(labels == 1)
    size = n - num_fg
    perm = _permute_first_n(key, fg, n, N)
    p = jnp.arange(N)
    sel = p < size
    idx = jnp.where(sel, perm, N)
    g = jnp.where(sel, perm, 0)
    upd = jnp.where(sel, -labels[g] - jnp.ones((N,), jnp.float32), jnp.zeros((N,), jnp.float32))
    return labels.at[idx].add(upd, mode='drop')

def _subsample_negative(labels, key):
    num_bg = RPN_BATCHSIZE - jnp.sum(labels == 1)
    N = labels.shape[0]
    bg = jnp.nonzero(labels == 0, size=N, fill_value=N)[0]
    n = jnp.sum(labels == 0)
    size = n - num_bg
    perm = _permute_first_n(key, bg, n, N)
    p = jnp.arange(N)
    sel = p < size
    idx = jnp.where(sel, perm, N)
    g = jnp.where(sel, perm, 0)
    upd = jnp.where(sel, -labels[g] - jnp.ones((N,), jnp.float32), jnp.zeros((N,), jnp.float32))
    return labels.at[idx].add(upd, mode='drop')

def _label(gt, anchors, neg, pos, clobber, key):
    N = anchors.shape[0]
    ref = _overlap(anchors, gt)
    gt_argmax = jnp.argmax(ref, axis=0)
    argmax = jnp.argmax(ref, axis=1)
    max_ov = ref[jnp.arange(N), argmax]
    labels = -jnp.ones((N,), jnp.float32)
    if not clobber:
        labels = jnp.where(max_ov < neg, jnp.zeros_like(labels), labels)
    ingt = jnp.zeros((N,), jnp.bool_).at[gt_argmax].set(True)
    labels = jnp.where(ingt, jnp.ones_like(labels), labels)
    labels = jnp.where(max_ov >= pos, jnp.ones_like(labels), labels)
    if clobber:
        labels = jnp.where(max_ov < neg, jnp.zeros_like(labels), labels)
    k1, k2 = jax.random.split(key)
    labels = _subsample_positive(labels, k1)
    labels = _subsample_negative(labels, k2)
    return argmax, labels

def _bbox_transform(ex, gt):
    ew = ex[:, 2] - ex[:, 0] + 1.0; eh = ex[:, 3] - ex[:, 1] + 1.0
    ecx = ex[:, 0] + 0.5 * ew; ecy = ex[:, 1] + 0.5 * eh
    gw = gt[:, 2] - gt[:, 0] + 1.0; gh = gt[:, 3] - gt[:, 1] + 1.0
    gcx = gt[:, 0] + 0.5 * gw; gcy = gt[:, 1] + 0.5 * gh
    return jnp.stack([(gcx - ecx) / ew, (gcy - ecy) / eh, jnp.log(gw / ew), jnp.log(gh / eh)], axis=1)

def _inside_image(a, im_info, ab=0):
    return (a[:, 0] >= -ab) & (a[:, 1] >= -ab) & (a[:, 2] < ab + im_info[1]) & (a[:, 3] < ab + im_info[0])

def setup_inputs(seed: int = 0):
    key = jax.random.key(seed)
    k1, k2, k3 = jax.random.split(key, 3)
    scores = jax.random.normal(k1, (1, 128, 128, 18), jnp.float32)
    xy = jax.random.uniform(k2, (128, 2), jnp.float32, 0.0, 1900.0)
    wh = jax.random.uniform(k3, (128, 2), jnp.float32, 16.0, 148.0)
    gt_boxes = jnp.concatenate([xy, jnp.minimum(xy + wh, 2047.0)], axis=1)[None, :, :]
    metadata = jnp.array([[2048.0, 2048.0, 1.0]], jnp.float32)
    return {"scores": scores, "gt_boxes": gt_boxes, "metadata": metadata}

def reference(scores, gt_boxes, metadata):
    stride = 16; allowed_border = 0
    meta = metadata[0]; gt = gt_boxes[0]
    anchors = jnp.asarray(_shift((scores.shape[1], scores.shape[2]), stride))
    argmax_inds, labels = _label(gt, anchors, 0.3, 0.7, False, jax.random.key(42))
    bbox = _bbox_transform(anchors, gt[argmax_inds]).reshape(-1, 4)
    inds_inside = _inside_image(anchors, meta, allowed_border)
    labels = jnp.where(inds_inside, labels, -jnp.ones_like(labels))
    return labels[None, :], bbox[None, :, :]

if __name__ == "__main__":
    import jax
    _d = setup_inputs()
    print(jax.jit(kernel)(*tuple(_d.values())))

</pallas_src>

<mosaic_0001>
#map = affine_map<(d0, d1) -> (0)>
module attributes {stable_mosaic.version = 14 : i64} {
  func.func @_sc_pos2_body(%arg0: i32, %arg1: i32, %arg2: memref<147456xi32, #tpu.memory_space<hbm>>, %arg3: memref<147456xi32, #tpu.memory_space<hbm>>, %arg4: memref<147464xi32, #tpu.memory_space<hbm>>, %arg5: memref<147456xi32, #tpu.memory_space<hbm>>, %arg6: memref<4608xi32, #tpu.memory_space<vmem>>, %arg7: memref<4608xi32, #tpu.memory_space<vmem>>) attributes {dimension_semantics = [#tpu.dimension_semantics<core_parallel>, #tpu.dimension_semantics<subcore_parallel>], iteration_bounds = array<i64: 2, 16>, scalar_prefetch = 0 : i64, scratch_operands = 2 : i64, tpu.core_type = #tpu.core_type<sc_vector_subcore>, window_params = [{transform_indices = #map}, {transform_indices = #map}, {transform_indices = #map}, {transform_indices = #map}]} {
    %mul3A = arith.constant 2 : i32
    %mul3A_0 = arith.muli %arg1, %mul3A : i32
    %add3A = arith.addi %mul3A_0, %arg0 : i32
    %mul3A_1 = arith.constant 4608 : i32
    %mul3A_2 = arith.muli %add3A, %mul3A_1 : i32
    "tpu.region"() ({
      %run_scoped3A = tpu.sem_alloc : memref<!tpu.dma_semaphore, #tpu.memory_space<semaphore_mem>>
      %dma_start3A = tpu.memref_slice %arg2[%mul3A_2] : memref<147456xi32, #tpu.memory_space<hbm>> -> memref<4608xi32, #tpu.memory_space<hbm>>
      %dma_start3A_3 = tpu.memref_slice %arg2[%mul3A_2] : memref<147456xi32, #tpu.memory_space<hbm>> -> memref<4608xi32, #tpu.memory_space<hbm>>
      tpu.enqueue_dma source(%dma_start3A_3 : memref<4608xi32, #tpu.memory_space<hbm>>) target(%arg7 : memref<4608xi32, #tpu.memory_space<vmem>>) target_semaphore(%run_scoped3A : memref<!tpu.dma_semaphore, #tpu.memory_space<semaphore_mem>>)
      %dma_wait3A = tpu.memref_slice %arg2[%mul3A_2] : memref<147456xi32, #tpu.memory_space<hbm>> -> memref<4608xi32, #tpu.memory_space<hbm>>
      %dma_wait3A_4 = tpu.memref_slice %arg2[%mul3A_2] : memref<147456xi32, #tpu.memory_space<hbm>> -> memref<4608xi32, #tpu.memory_space<hbm>>
      tpu.wait_dma2 semaphore(%run_scoped3A : memref<!tpu.dma_semaphore, #tpu.memory_space<semaphore_mem>>) src(%dma_wait3A_4 : memref<4608xi32, #tpu.memory_space<hbm>>) dst(%arg7 : memref<4608xi32, #tpu.memory_space<vmem>>)
      tpu.yield
    }) : () -> ()
    "tpu.region"() ({
      %run_scoped3A = tpu.sem_alloc : memref<!tpu.dma_semaphore, #tpu.memory_space<semaphore_mem>>
      %dma_start3A = arith.constant 0 : i32
      %dma_start3A_3 = tpu.memref_slice %arg3[%dma_start3A] : memref<147456xi32, #tpu.memory_space<hbm>> -> memref<147456xi32, #tpu.memory_space<hbm>>
      tpu.enqueue_indirect_dma source(%dma_start3A_3 : memref<147456xi32, #tpu.memory_space<hbm>>) target(%arg6 : memref<4608xi32, #tpu.memory_space<vmem>>) offsets(%arg7 : memref<4608xi32, #tpu.memory_space<vmem>>) semaphore(%run_scoped3A : memref<!tpu.dma_semaphore, #tpu.memory_space<semaphore_mem>>)
      %dma_wait3A = arith.constant 0 : i32
      %dma_wait3A_4 = tpu.memref_slice %arg3[%dma_wait3A] : memref<147456xi32, #tpu.memory_space<hbm>> -> memref<147456xi32, #tpu.memory_space<hbm>>
      tpu.wait_indirect_dma semaphore(%run_scoped3A : memref<!tpu.dma_semaphore, #tpu.memory_space<semaphore_mem>>) src(%dma_wait3A_4 : memref<147456xi32, #tpu.memory_space<hbm>>) dst(%arg6 : memref<4608xi32, #tpu.memory_space<vmem>>)
      tpu.yield
    }) : () -> ()
    "tpu.region"() ({
      %run_scoped3A = tpu.sem_alloc : memref<!tpu.dma_semaphore, #tpu.memory_space<semaphore_mem>>
      %dma_start3A = arith.constant 0 : i32
      %dma_start3A_3 = tpu.memref_slice %arg4[%dma_start3A] : memref<147464xi32, #tpu.memory_space<hbm>> -> memref<147464xi32, #tpu.memory_space<hbm>>
      tpu.enqueue_indirect_dma source(%dma_start3A_3 : memref<147464xi32, #tpu.memory_space<hbm>>) target(%arg7 : memref<4608xi32, #tpu.memory_space<vmem>>) offsets(%arg6 : memref<4608xi32, #tpu.memory_space<vmem>>) semaphore(%run_scoped3A : memref<!tpu.dma_semaphore, #tpu.memory_space<semaphore_mem>>)
      %dma_wait3A = arith.constant 0 : i32
      %dma_wait3A_4 = tpu.memref_slice %arg4[%dma_wait3A] : memref<147464xi32, #tpu.memory_space<hbm>> -> memref<147464xi32, #tpu.memory_space<hbm>>
      tpu.wait_indirect_dma semaphore(%run_scoped3A : memref<!tpu.dma_semaphore, #tpu.memory_space<semaphore_mem>>) src(%dma_wait3A_4 : memref<147464xi32, #tpu.memory_space<hbm>>) dst(%arg7 : memref<4608xi32, #tpu.memory_space<vmem>>)
      tpu.yield
    }) : () -> ()
    "tpu.region"() ({
      %run_scoped3A = tpu.sem_alloc : memref<!tpu.dma_semaphore, #tpu.memory_space<semaphore_mem>>
      %dma_start3A = tpu.memref_slice %arg5[%mul3A_2] : memref<147456xi32, #tpu.memory_space<hbm>> -> memref<4608xi32, #tpu.memory_space<hbm>>
      %dma_start3A_3 = tpu.memref_slice %arg5[%mul3A_2] : memref<147456xi32, #tpu.memory_space<hbm>> -> memref<4608xi32, #tpu.memory_space<hbm>>
      tpu.enqueue_dma source(%arg7 : memref<4608xi32, #tpu.memory_space<vmem>>) target(%dma_start3A_3 : memref<4608xi32, #tpu.memory_space<hbm>>) target_semaphore(%run_scoped3A : memref<!tpu.dma_semaphore, #tpu.memory_space<semaphore_mem>>)
      %dma_wait3A = tpu.memref_slice %arg5[%mul3A_2] : memref<147456xi32, #tpu.memory_space<hbm>> -> memref<4608xi32, #tpu.memory_space<hbm>>
      %dma_wait3A_4 = tpu.memref_slice %arg5[%mul3A_2] : memref<147456xi32, #tpu.memory_space<hbm>> -> memref<4608xi32, #tpu.memory_space<hbm>>
      tpu.wait_dma2 semaphore(%run_scoped3A : memref<!tpu.dma_semaphore, #tpu.memory_space<semaphore_mem>>) src(%arg7 : memref<4608xi32, #tpu.memory_space<vmem>>) dst(%dma_wait3A_4 : memref<4608xi32, #tpu.memory_space<hbm>>)
      tpu.yield
    }) : () -> ()
    return
  }
}

#map = affine_map<(d0, d1) -> (0)>
module attributes {stable_mosaic.version = 14 : i64} {
  func.func @_sc_main_body(%arg0: i32, %arg1: i32, %arg2: memref<147456xi32, #tpu.memory_space<hbm>>, %arg3: memref<147456xi32, #tpu.memory_space<hbm>>, %arg4: memref<147456xi32, #tpu.memory_space<hbm>>, %arg5: memref<147464xi32, #tpu.memory_space<hbm>>, %arg6: memref<147464xi32, #tpu.memory_space<hbm>>, %arg7: memref<147464xi32, #tpu.memory_space<hbm>>, %arg8: memref<147456xi32, #tpu.memory_space<hbm>>, %arg9: memref<147456xi32, #tpu.memory_space<hbm>>, %arg10: memref<147456xi32, #tpu.memory_space<hbm>>, %arg11: memref<1152xi32, #tpu.memory_space<vmem>>, %arg12: memref<1152xi32, #tpu.memory_space<vmem>>, %arg13: memref<1152xi32, #tpu.memory_space<vmem>>, %arg14: memref<1152xi32, #tpu.memory_space<vmem>>, %arg15: memref<1152xi32, #tpu.memory_space<vmem>>, %arg16: memref<1152xi32, #tpu.memory_space<vmem>>, %arg17: memref<1152xi32, #tpu.memory_space<vmem>>, %arg18: memref<1152xi32, #tpu.memory_space<vmem>>, %arg19: memref<1152xi32, #tpu.memory_space<vmem>>, %arg20: memref<1152xi32, #tpu.memory_space<vmem>>, %arg21: memref<1152xi32, #tpu.memory_space<vmem>>, %arg22: memref<1152xi32, #tpu.memory_space<vmem>>, %arg23: memref<1152xi32, #tpu.memory_space<vmem>>, %arg24: memref<1152xi32, #tpu.memory_space<vmem>>, %arg25: memref<1152xi32, #tpu.memory_space<vmem>>, %arg26: memref<1152xi32, #tpu.memory_space<vmem>>, %arg27: memref<1152xi32, #tpu.memory_space<vmem>>, %arg28: memref<1152xi32, #tpu.memory_space<vmem>>, %arg29: memref<1152xi32, #tpu.memory_space<vmem>>, %arg30: memref<1152xi32, #tpu.memory_space<vmem>>, %arg31: memref<1152xi32, #tpu.memory_space<vmem>>, %arg32: memref<1152xi32, #tpu.memory_space<vmem>>, %arg33: memref<1152xi32, #tpu.memory_space<vmem>>, %arg34: memref<1152xi32, #tpu.memory_space<vmem>>, %arg35: memref<147464xi32, #tpu.memory_space<vmem_shared>>, %arg36: memref<147464xi32, #tpu.memory_space<vmem_shared>>, %arg37: memref<147464xi32, #tpu.memory_space<vmem_shared>>, %arg38: memref<147456xi32, #tpu.memory_space<vmem_shared>>, %arg39: memref<!tpu.dma_semaphore, #tpu.memory_space<semaphore_mem>>, %arg40: memref<!tpu.dma_semaphore, #tpu.memory_space<semaphore_mem>>, %arg41: memref<!tpu.dma_semaphore, #tpu.memory_space<semaphore_mem>>, %arg42: memref<!tpu.dma_semaphore, #tpu.memory_space<semaphore_mem>>, %arg43: memref<!tpu.dma_semaphore, #tpu.memory_space<semaphore_mem>>, %arg44: memref<!tpu.dma_semaphore, #tpu.memory_space<semaphore_mem>>) attributes {dimension_semantics = [#tpu.dimension_semantics<core_parallel>, #tpu.dimension_semantics<subcore_parallel>], iteration_bounds = array<i64: 2, 16>, scalar_prefetch = 0 : i64, scratch_operands = 34 : i64, tpu.core_type = #tpu.core_type<sc_vector_subcore>, window_params = [{transform_indices = #map}, {transform_indices = #map}, {transform_indices = #map}, {transform_indices = #map}, {transform_indices = #map}, {transform_indices = #map}, {transform_indices = #map}, {transform_indices = #map}, {transform_indices = #map}]} {
    %mul3A = arith.constant 2 : i32
    %mul3A_0 = arith.muli %arg1, %mul3A : i32
    %add3A = arith.addi %mul3A_0, %arg0 : i32
    %eq3A = arith.constant 0 : i32
    %eq3A_1 = arith.cmpi eq, %arg1, %eq3A : i32
    %convert_element_type3A = arith.extui %eq3A_1 : i1 to i32
    %cond3A = arith.constant 0 : i32
    %cond3A_2 = arith.cmpi ne, %convert_element_type3A, %cond3A : i32
    scf.if %cond3A_2 {
      "tpu.region"() ({
        %run_scoped3A = tpu.sem_alloc : memref<!tpu.dma_semaphore, #tpu.memory_space<semaphore_mem>>
        tpu.enqueue_dma source(%arg5 : memref<147464xi32, #tpu.memory_space<hbm>>) target(%arg35 : memref<147464xi32, #tpu.memory_space<vmem_shared>>) target_semaphore(%run_scoped3A : memref<!tpu.dma_semaphore, #tpu.memory_space<semaphore_mem>>)
        tpu.wait_dma2 semaphore(%run_scoped3A : memref<!tpu.dma_semaphore, #tpu.memory_space<semaphore_mem>>) src(%arg5 : memref<147464xi32, #tpu.memory_space<hbm>>) dst(%arg35 : memref<147464xi32, #tpu.memory_space<vmem_shared>>)
        tpu.yield
      }) : () -> ()
    } else {
    }
    %eq3A_3 = arith.constant 1 : i32
    %eq3A_4 = arith.cmpi eq, %arg1, %eq3A_3 : i32
    %convert_element_type3A_5 = arith.extui %eq3A_4 : i1 to i32
    %cond3A_6 = arith.constant 0 : i32
    %cond3A_7 = arith.cmpi ne, %convert_element_type3A_5, %cond3A_6 : i32
    scf.if %cond3A_7 {
      "tpu.region"() ({
        %run_scoped3A = tpu.sem_alloc : memref<!tpu.dma_semaphore, #tpu.memory_space<semaphore_mem>>
        tpu.enqueue_dma source(%arg6 : memref<147464xi32, #tpu.memory_space<hbm>>) target(%arg36 : memref<147464xi32, #tpu.memory_space<vmem_shared>>) target_semaphore(%run_scoped3A : memref<!tpu.dma_semaphore, #tpu.memory_space<semaphore_mem>>)
        tpu.wait_dma2 semaphore(%run_scoped3A : memref<!tpu.dma_semaphore, #tpu.memory_space<semaphore_mem>>) src(%arg6 : memref<147464xi32, #tpu.memory_space<hbm>>) dst(%arg36 : memref<147464xi32, #tpu.memory_space<vmem_shared>>)
        tpu.yield
      }) : () -> ()
    } else {
    }
    %eq3A_8 = arith.constant 2 : i32
    %eq3A_9 = arith.cmpi eq, %arg1, %eq3A_8 : i32
    %convert_element_type3A_10 = arith.extui %eq3A_9 : i1 to i32
    %cond3A_11 = arith.constant 0 : i32
    %cond3A_12 = arith.cmpi ne, %convert_element_type3A_10, %cond3A_11 : i32
    scf.if %cond3A_12 {
      "tpu.region"() ({
        %run_scoped3A = tpu.sem_alloc : memref<!tpu.dma_semaphore, #tpu.memory_space<semaphore_mem>>
        tpu.enqueue_dma source(%arg7 : memref<147464xi32, #tpu.memory_space<hbm>>) target(%arg37 : memref<147464xi32, #tpu.memory_space<vmem_shared>>) target_semaphore(%run_scoped3A : memref<!tpu.dma_semaphore, #tpu.memory_space<semaphore_mem>>)
        tpu.wait_dma2 semaphore(%run_scoped3A : memref<!tpu.dma_semaphore, #tpu.memory_space<semaphore_mem>>) src(%arg7 : memref<147464xi32, #tpu.memory_space<hbm>>) dst(%arg37 : memref<147464xi32, #tpu.memory_space<vmem_shared>>)
        tpu.yield
      }) : () -> ()
    } else {
    }
    %eq3A_13 = arith.constant 3 : i32
    %eq3A_14 = arith.cmpi eq, %arg1, %eq3A_13 : i32
    %convert_element_type3A_15 = arith.extui %eq3A_14 : i1 to i32
    %cond3A_16 = arith.constant 0 : i32
    %cond3A_17 = arith.cmpi ne, %convert_element_type3A_15, %cond3A_16 : i32
    scf.if %cond3A_17 {
      "tpu.region"() ({
        %run_scoped3A = tpu.sem_alloc : memref<!tpu.dma_semaphore, #tpu.memory_space<semaphore_mem>>
        tpu.enqueue_dma source(%arg4 : memref<147456xi32, #tpu.memory_space<hbm>>) target(%arg38 : memref<147456xi32, #tpu.memory_space<vmem_shared>>) target_semaphore(%run_scoped3A : memref<!tpu.dma_semaphore, #tpu.memory_space<semaphore_mem>>)
        tpu.wait_dma2 semaphore(%run_scoped3A : memref<!tpu.dma_semaphore, #tpu.memory_space<semaphore_mem>>) src(%arg4 : memref<147456xi32, #tpu.memory_space<hbm>>) dst(%arg38 : memref<147456xi32, #tpu.memory_space<vmem_shared>>)
        tpu.yield
      }) : () -> ()
    } else {
    }
    %barrier3A = arith.constant 0 : index
    tpu.barrier barrier_id(%barrier3A)
    %mul3A_18 = arith.constant 4608 : i32
    %mul3A_19 = arith.muli %add3A, %mul3A_18 : i32
    %add3A_20 = arith.constant 0 : i32
    %add3A_21 = arith.addi %mul3A_19, %add3A_20 : i32
    %mul3A_22 = arith.constant 4608 : i32
    %mul3A_23 = arith.muli %add3A, %mul3A_22 : i32
    %add3A_24 = arith.constant 1152 : i32
    %add3A_25 = arith.addi %mul3A_23, %add3A_24 : i32
    %mul3A_26 = arith.constant 4608 : i32
    %mul3A_27 = arith.muli %add3A, %mul3A_26 : i32
    %add3A_28 = arith.constant 2304 : i32
    %add3A_29 = arith.addi %mul3A_27, %add3A_28 : i32
    %mul3A_30 = arith.constant 4608 : i32
    %mul3A_31 = arith.muli %add3A, %mul3A_30 : i32
    %add3A_32 = arith.constant 3456 : i32
    %add3A_33 = arith.addi %mul3A_31, %add3A_32 : i32
    %mul3A_34 = arith.constant 4608 : i32
    %mul3A_35 = arith.muli %add3A, %mul3A_34 : i32
    %add3A_36 = arith.constant 0 : i32
    %add3A_37 = arith.addi %mul3A_35, %add3A_36 : i32
    %mul3A_38 = arith.constant 4608 : i32
    %mul3A_39 = arith.muli %add3A, %mul3A_38 : i32
    %add3A_40 = arith.constant 1152 : i32
    %add3A_41 = arith.addi %mul3A_39, %add3A_40 : i32
    %mul3A_42 = arith.constant 4608 : i32
    %mul3A_43 = arith.muli %add3A, %mul3A_42 : i32
    %add3A_44 = arith.constant 2304 : i32
    %add3A_45 = arith.addi %mul3A_43, %add3A_44 : i32
    %mul3A_46 = arith.constant 4608 : i32
    %mul3A_47 = arith.muli %add3A, %mul3A_46 : i32
    %add3A_48 = arith.constant 3456 : i32
    %add3A_49 = arith.addi %mul3A_47, %add3A_48 : i32
    %dma_start3A = tpu.memref_slice %arg3[%add3A_21] : memref<147456xi32, #tpu.memory_space<hbm>> -> memref<1152xi32, #tpu.memory_space<hbm>>
    %dma_start3A_50 = tpu.memref_slice %arg3[%add3A_21] : memref<147456xi32, #tpu.memory_space<hbm>> -> memref<1152xi32, #tpu.memory_space<hbm>>
    tpu.enqueue_dma source(%dma_start3A_50 : memref<1152xi32, #tpu.memory_space<hbm>>) target(%arg11 : memref<1152xi32, #tpu.memory_space<vmem>>) target_semaphore(%arg39 : memref<!tpu.dma_semaphore, #tpu.memory_space<semaphore_mem>>)
    %dma_start3A_51 = tpu.memref_slice %arg2[%add3A_37] : memref<147456xi32, #tpu.memory_space<hbm>> -> memref<1152xi32, #tpu.memory_space<hbm>>
    %dma_start3A_52 = tpu.memref_slice %arg2[%add3A_37] : memref<147456xi32, #tpu.memory_space<hbm>> -> memref<1152xi32, #tpu.memory_space<hbm>>
    tpu.enqueue_dma source(%dma_start3A_52 : memref<1152xi32, #tpu.memory_space<hbm>>) target(%arg27 : memref<1152xi32, #tpu.memory_space<vmem>>) target_semaphore(%arg43 : memref<!tpu.dma_semaphore, #tpu.memory_space<semaphore_mem>>)
    %dma_start3A_53 = tpu.memref_slice %arg3[%add3A_25] : memref<147456xi32, #tpu.memory_space<hbm>> -> memref<1152xi32, #tpu.memory_space<hbm>>
    %dma_start3A_54 = tpu.memref_slice %arg3[%add3A_25] : memref<147456xi32, #tpu.memory_space<hbm>> -> memref<1152xi32, #tpu.memory_space<hbm>>
    tpu.enqueue_dma source(%dma_start3A_54 : memref<1152xi32, #tpu.memory_space<hbm>>) target(%arg12 : memref<1152xi32, #tpu.memory_space<vmem>>) target_semaphore(%arg39 : memref<!tpu.dma_semaphore, #tpu.memory_space<semaphore_mem>>)
    %dma_start3A_55 = tpu.memref_slice %arg2[%add3A_41] : memref<147456xi32, #tpu.memory_space<hbm>> -> memref<1152xi32, #tpu.memory_space<hbm>>
    %dma_start3A_56 = tpu.memref_slice %arg2[%add3A_41] : memref<147456xi32, #tpu.memory_space<hbm>> -> memref<1152xi32, #tpu.memory_space<hbm>>
    tpu.enqueue_dma source(%dma_start3A_56 : memref<1152xi32, #tpu.memory_space<hbm>>) target(%arg28 : memref<1152xi32, #tpu.memory_space<vmem>>) target_semaphore(%arg43 : memref<!tpu.dma_semaphore, #tpu.memory_space<semaphore_mem>>)
    %dma_start3A_57 = tpu.memref_slice %arg3[%add3A_29] : memref<147456xi32, #tpu.memory_space<hbm>> -> memref<1152xi32, #tpu.memory_space<hbm>>
    %dma_start3A_58 = tpu.memref_slice %arg3[%add3A_29] : memref<147456xi32, #tpu.memory_space<hbm>> -> memref<1152xi32, #tpu.memory_space<hbm>>
    tpu.enqueue_dma source(%dma_start3A_58 : memref<1152xi32, #tpu.memory_space<hbm>>) target(%arg13 : memref<1152xi32, #tpu.memory_space<vmem>>) target_semaphore(%arg39 : memref<!tpu.dma_semaphore, #tpu.memory_space<semaphore_mem>>)
    %dma_start3A_59 = tpu.memref_slice %arg2[%add3A_45] : memref<147456xi32, #tpu.memory_space<hbm>> -> memref<1152xi32, #tpu.memory_space<hbm>>
    %dma_start3A_60 = tpu.memref_slice %arg2[%add3A_45] : memref<147456xi32, #tpu.memory_space<hbm>> -> memref<1152xi32, #tpu.memory_space<hbm>>
    tpu.enqueue_dma source(%dma_start3A_60 : memref<1152xi32, #tpu.memory_space<hbm>>) target(%arg29 : memref<1152xi32, #tpu.memory_space<vmem>>) target_semaphore(%arg43 : memref<!tpu.dma_semaphore, #tpu.memory_space<semaphore_mem>>)
    %dma_start3A_61 = tpu.memref_slice %arg3[%add3A_33] : memref<147456xi32, #tpu.memory_space<hbm>> -> memref<1152xi32, #tpu.memory_space<hbm>>
    %dma_start3A_62 = tpu.memref_slice %arg3[%add3A_33] : memref<147456xi32, #tpu.memory_space<hbm>> -> memref<1152xi32, #tpu.memory_space<hbm>>
    tpu.enqueue_dma source(%dma_start3A_62 : memref<1152xi32, #tpu.memory_space<hbm>>) target(%arg14 : memref<1152xi32, #tpu.memory_space<vmem>>) target_semaphore(%arg39 : memref<!tpu.dma_semaphore, #tpu.memory_space<semaphore_mem>>)
    %dma_start3A_63 = tpu.memref_slice %arg2[%add3A_49] : memref<147456xi32, #tpu.memory_space<hbm>> -> memref<1152xi32, #tpu.memory_space<hbm>>
    %dma_start3A_64 = tpu.memref_slice %arg2[%add3A_49] : memref<147456xi32, #tpu.memory_space<hbm>> -> memref<1152xi32, #tpu.memory_space<hbm>>
    tpu.enqueue_dma source(%dma_start3A_64 : memref<1152xi32, #tpu.memory_space<hbm>>) target(%arg30 : memref<1152xi32, #tpu.memory_space<vmem>>) target_semaphore(%arg43 : memref<!tpu.dma_semaphore, #tpu.memory_space<semaphore_mem>>)
    %dma_wait3A = tpu.memref_slice %arg3[%add3A_21] : memref<147456xi32, #tpu.memory_space<hbm>> -> memref<1152xi32, #tpu.memory_space<hbm>>
    %dma_wait3A_65 = tpu.memref_slice %arg3[%add3A_21] : memref<147456xi32, #tpu.memory_space<hbm>> -> memref<1152xi32, #tpu.memory_space<hbm>>
    tpu.wait_dma2 semaphore(%arg39 : memref<!tpu.dma_semaphore, #tpu.memory_space<semaphore_mem>>) src(%dma_wait3A_65 : memref<1152xi32, #tpu.memory_space<hbm>>) dst(%arg11 : memref<1152xi32, #tpu.memory_space<vmem>>)
    %dma_start3A_66 = arith.constant 0 : i32
    %dma_start3A_67 = tpu.memref_slice %arg36[%dma_start3A_66] : memref<147464xi32, #tpu.memory_space<vmem_shared>> -> memref<147464xi32, #tpu.memory_space<vmem_shared>>
    tpu.enqueue_indirect_dma source(%dma_start3A_67 : memref<147464xi32, #tpu.memory_space<vmem_shared>>) target(%arg15 : memref<1152xi32, #tpu.memory_space<vmem>>) offsets(%arg11 : memref<1152xi32, #tpu.memory_space<vmem>>) semaphore(%arg40 : memref<!tpu.dma_semaphore, #tpu.memory_space<semaphore_mem>>)
    %dma_wait3A_68 = tpu.memref_slice %arg2[%add3A_37] : memref<147456xi32, #tpu.memory_space<hbm>> -> memref<1152xi32, #tpu.memory_space<hbm>>
    %dma_wait3A_69 = tpu.memref_slice %arg2[%add3A_37] : memref<147456xi32, #tpu.memory_space<hbm>> -> memref<1152xi32, #tpu.memory_space<hbm>>
    tpu.wait_dma2 semaphore(%arg43 : memref<!tpu.dma_semaphore, #tpu.memory_space<semaphore_mem>>) src(%dma_wait3A_69 : memref<1152xi32, #tpu.memory_space<hbm>>) dst(%arg27 : memref<1152xi32, #tpu.memory_space<vmem>>)
    %dma_start3A_70 = arith.constant 0 : i32
    %dma_start3A_71 = tpu.memref_slice %arg35[%dma_start3A_70] : memref<147464xi32, #tpu.memory_space<vmem_shared>> -> memref<147464xi32, #tpu.memory_space<vmem_shared>>
    tpu.enqueue_indirect_dma source(%dma_start3A_71 : memref<147464xi32, #tpu.memory_space<vmem_shared>>) target(%arg31 : memref<1152xi32, #tpu.memory_space<vmem>>) offsets(%arg27 : memref<1152xi32, #tpu.memory_space<vmem>>) semaphore(%arg44 : memref<!tpu.dma_semaphore, #tpu.memory_space<semaphore_mem>>)
    %dma_wait3A_72 = tpu.memref_slice %arg3[%add3A_25] : memref<147456xi32, #tpu.memory_space<hbm>> -> memref<1152xi32, #tpu.memory_space<hbm>>
    %dma_wait3A_73 = tpu.memref_slice %arg3[%add3A_25] : memref<147456xi32, #tpu.memory_space<hbm>> -> memref<1152xi32, #tpu.memory_space<hbm>>
    tpu.wait_dma2 semaphore(%arg39 : memref<!tpu.dma_semaphore, #tpu.memory_space<semaphore_mem>>) src(%dma_wait3A_73 : memref<1152xi32, #tpu.memory_space<hbm>>) dst(%arg12 : memref<1152xi32, #tpu.memory_space<vmem>>)
    %dma_start3A_74 = arith.constant 0 : i32
    %dma_start3A_75 = tpu.memref_slice %arg36[%dma_start3A_74] : memref<147464xi32, #tpu.memory_space<vmem_shared>> -> memref<147464xi32, #tpu.memory_space<vmem_shared>>
    tpu.enqueue_indirect_dma source(%dma_start3A_75 : memref<147464xi32, #tpu.memory_space<vmem_shared>>) target(%arg16 : memref<1152xi32, #tpu.memory_space<vmem>>) offsets(%arg12 : memref<1152xi32, #tpu.memory_space<vmem>>) semaphore(%arg40 : memref<!tpu.dma_semaphore, #tpu.memory_space<semaphore_mem>>)
    %dma_wait3A_76 = tpu.memref_slice %arg2[%add3A_41] : memref<147456xi32, #tpu.memory_space<hbm>> -> memref<1152xi32, #tpu.memory_space<hbm>>
    %dma_wait3A_77 = tpu.memref_slice %arg2[%add3A_41] : memref<147456xi32, #tpu.memory_space<hbm>> -> memref<1152xi32, #tpu.memory_space<hbm>>
    tpu.wait_dma2 semaphore(%arg43 : memref<!tpu.dma_semaphore, #tpu.memory_space<semaphore_mem>>) src(%dma_wait3A_77 : memref<1152xi32, #tpu.memory_space<hbm>>) dst(%arg28 : memref<1152xi32, #tpu.memory_space<vmem>>)
    %dma_start3A_78 = arith.constant 0 : i32
    %dma_start3A_79 = tpu.memref_slice %arg35[%dma_start3A_78] : memref<147464xi32, #tpu.memory_space<vmem_shared>> -> memref<147464xi32, #tpu.memory_space<vmem_shared>>
    tpu.enqueue_indirect_dma source(%dma_start3A_79 : memref<147464xi32, #tpu.memory_space<vmem_shared>>) target(%arg32 : memref<1152xi32, #tpu.memory_space<vmem>>) offsets(%arg28 : memref<1152xi32, #tpu.memory_space<vmem>>) semaphore(%arg44 : memref<!tpu.dma_semaphore, #tpu.memory_space<semaphore_mem>>)
    %dma_wait3A_80 = tpu.memref_slice %arg3[%add3A_29] : memref<147456xi32, #tpu.memory_space<hbm>> -> memref<1152xi32, #tpu.memory_space<hbm>>
    %dma_wait3A_81 = tpu.memref_slice %arg3[%add3A_29] : memref<147456xi32, #tpu.memory_space<hbm>> -> memref<1152xi32, #tpu.memory_space<hbm>>
    tpu.wait_dma2 semaphore(%arg39 : memref<!tpu.dma_semaphore, #tpu.memory_space<semaphore_mem>>) src(%dma_wait3A_81 : memref<1152xi32, #tpu.memory_space<hbm>>) dst(%arg13 : memref<1152xi32, #tpu.memory_space<vmem>>)
    %dma_start3A_82 = arith.constant 0 : i32
    %dma_start3A_83 = tpu.memref_slice %arg36[%dma_start3A_82] : memref<147464xi32, #tpu.memory_space<vmem_shared>> -> memref<147464xi32, #tpu.memory_space<vmem_shared>>
    tpu.enqueue_indirect_dma source(%dma_start3A_83 : memref<147464xi32, #tpu.memory_space<vmem_shared>>) target(%arg17 : memref<1152xi32, #tpu.memory_space<vmem>>) offsets(%arg13 : memref<1152xi32, #tpu.memory_space<vmem>>) semaphore(%arg40 : memref<!tpu.dma_semaphore, #tpu.memory_space<semaphore_mem>>)
    %dma_wait3A_84 = tpu.memref_slice %arg2[%add3A_45] : memref<147456xi32, #tpu.memory_space<hbm>> -> memref<1152xi32, #tpu.memory_space<hbm>>
    %dma_wait3A_85 = tpu.memref_slice %arg2[%add3A_45] : memref<147456xi32, #tpu.memory_space<hbm>> -> memref<1152xi32, #tpu.memory_space<hbm>>
    tpu.wait_dma2 semaphore(%arg43 : memref<!tpu.dma_semaphore, #tpu.memory_space<semaphore_mem>>) src(%dma_wait3A_85 : memref<1152xi32, #tpu.memory_space<hbm>>) dst(%arg29 : memref<1152xi32, #tpu.memory_space<vmem>>)
    %dma_start3A_86 = arith.constant 0 : i32
    %dma_start3A_87 = tpu.memref_slice %arg35[%dma_start3A_86] : memref<147464xi32, #tpu.memory_space<vmem_shared>> -> memref<147464xi32, #tpu.memory_space<vmem_shared>>
    tpu.enqueue_indirect_dma source(%dma_start3A_87 : memref<147464xi32, #tpu.memory_space<vmem_shared>>) target(%arg33 : memref<1152xi32, #tpu.memory_space<vmem>>) offsets(%arg29 : memref<1152xi32, #tpu.memory_space<vmem>>) semaphore(%arg44 : memref<!tpu.dma_semaphore, #tpu.memory_space<semaphore_mem>>)
    %dma_wait3A_88 = tpu.memref_slice %arg3[%add3A_33] : memref<147456xi32, #tpu.memory_space<hbm>> -> memref<1152xi32, #tpu.memory_space<hbm>>
    %dma_wait3A_89 = tpu.memref_slice %arg3[%add3A_33] : memref<147456xi32, #tpu.memory_space<hbm>> -> memref<1152xi32, #tpu.memory_space<hbm>>
    tpu.wait_dma2 semaphore(%arg39 : memref<!tpu.dma_semaphore, #tpu.memory_space<semaphore_mem>>) src(%dma_wait3A_89 : memref<1152xi32, #tpu.memory_space<hbm>>) dst(%arg14 : memref<1152xi32, #tpu.memory_space<vmem>>)
    %dma_start3A_90 = arith.constant 0 : i32
    %dma_start3A_91 = tpu.memref_slice %arg36[%dma_start3A_90] : memref<147464xi32, #tpu.memory_space<vmem_shared>> -> memref<147464xi32, #tpu.memory_space<vmem_shared>>
    tpu.enqueue_indirect_dma source(%dma_start3A_91 : memref<147464xi32, #tpu.memory_space<vmem_shared>>) target(%arg18 : memref<1152xi32, #tpu.memory_space<vmem>>) offsets(%arg14 : memref<1152xi32, #tpu.memory_space<vmem>>) semaphore(%arg40 : memref<!tpu.dma_semaphore, #tpu.memory_space<semaphore_mem>>)
    %dma_wait3A_92 = tpu.memref_slice %arg2[%add3A_49] : memref<147456xi32, #tpu.memory_space<hbm>> -> memref<1152xi32, #tpu.memory_space<hbm>>
    %dma_wait3A_93 = tpu.memref_slice %arg2[%add3A_49] : memref<147456xi32, #tpu.memory_space<hbm>> -> memref<1152xi32, #tpu.memory_space<hbm>>
    tpu.wait_dma2 semaphore(%arg43 : memref<!tpu.dma_semaphore, #tpu.memory_space<semaphore_mem>>) src(%dma_wait3A_93 : memref<1152xi32, #tpu.memory_space<hbm>>) dst(%arg30 : memref<1152xi32, #tpu.memory_space<vmem>>)
    %dma_start3A_94 = arith.constant 0 : i32
    %dma_start3A_95 = tpu.memref_slice %arg35[%dma_start3A_94] : memref<147464xi32, #tpu.memory_space<vmem_shared>> -> memref<147464xi32, #tpu.memory_space<vmem_shared>>
    tpu.enqueue_indirect_dma source(%dma_start3A_95 : memref<147464xi32, #tpu.memory_space<vmem_shared>>) target(%arg34 : memref<1152xi32, #tpu.memory_space<vmem>>) offsets(%arg30 : memref<1152xi32, #tpu.memory_space<vmem>>) semaphore(%arg44 : memref<!tpu.dma_semaphore, #tpu.memory_space<semaphore_mem>>)
    %mul3A_96 = arith.constant 4608 : i32
    %mul3A_97 = arith.muli %add3A, %mul3A_96 : i32
    %add3A_98 = arith.constant 0 : i32
    %add3A_99 = arith.addi %mul3A_97, %add3A_98 : i32
    %mul3A_100 = arith.constant 4608 : i32
    %mul3A_101 = arith.muli %add3A, %mul3A_100 : i32
    %add3A_102 = arith.constant 1152 : i32
    %add3A_103 = arith.addi %mul3A_101, %add3A_102 : i32
    %mul3A_104 = arith.constant 4608 : i32
    %mul3A_105 = arith.muli %add3A, %mul3A_104 : i32
    %add3A_106 = arith.constant 2304 : i32
    %add3A_107 = arith.addi %mul3A_105, %add3A_106 : i32
    %mul3A_108 = arith.constant 4608 : i32
    %mul3A_109 = arith.muli %add3A, %mul3A_108 : i32
    %add3A_110 = arith.constant 3456 : i32
    %add3A_111 = arith.addi %mul3A_109, %add3A_110 : i32
    %mul3A_112 = arith.constant 4608 : i32
    %mul3A_113 = arith.muli %add3A, %mul3A_112 : i32
    %add3A_114 = arith.constant 0 : i32
    %add3A_115 = arith.addi %mul3A_113, %add3A_114 : i32
    %mul3A_116 = arith.constant 4608 : i32
    %mul3A_117 = arith.muli %add3A, %mul3A_116 : i32
    %add3A_118 = arith.constant 1152 : i32
    %add3A_119 = arith.addi %mul3A_117, %add3A_118 : i32
    %mul3A_120 = arith.constant 4608 : i32
    %mul3A_121 = arith.muli %add3A, %mul3A_120 : i32
    %add3A_122 = arith.constant 2304 : i32
    %add3A_123 = arith.addi %mul3A_121, %add3A_122 : i32
    %mul3A_124 = arith.constant 4608 : i32
    %mul3A_125 = arith.muli %add3A, %mul3A_124 : i32
    %add3A_126 = arith.constant 3456 : i32
    %add3A_127 = arith.addi %mul3A_125, %add3A_126 : i32
    %dma_wait3A_128 = arith.constant 0 : i32
    %dma_wait3A_129 = tpu.memref_slice %arg36[%dma_wait3A_128] : memref<147464xi32, #tpu.memory_space<vmem_shared>> -> memref<147464xi32, #tpu.memory_space<vmem_shared>>
    tpu.wait_indirect_dma semaphore(%arg40 : memref<!tpu.dma_semaphore, #tpu.memory_space<semaphore_mem>>) src(%dma_wait3A_129 : memref<147464xi32, #tpu.memory_space<vmem_shared>>) dst(%arg15 : memref<1152xi32, #tpu.memory_space<vmem>>)
    %dma_start3A_130 = arith.constant 0 : i32
    %dma_start3A_131 = tpu.memref_slice %arg38[%dma_start3A_130] : memref<147456xi32, #tpu.memory_space<vmem_shared>> -> memref<147456xi32, #tpu.memory_space<vmem_shared>>
    tpu.enqueue_indirect_dma source(%dma_start3A_131 : memref<147456xi32, #tpu.memory_space<vmem_shared>>) target(%arg19 : memref<1152xi32, #tpu.memory_space<vmem>>) offsets(%arg15 : memref<1152xi32, #tpu.memory_space<vmem>>) semaphore(%arg41 : memref<!tpu.dma_semaphore, #tpu.memory_space<semaphore_mem>>)
    %dma_start3A_132 = tpu.memref_slice %arg9[%add3A_99] : memref<147456xi32, #tpu.memory_space<hbm>> -> memref<1152xi32, #tpu.memory_space<hbm>>
    %dma_start3A_133 = tpu.memref_slice %arg9[%add3A_99] : memref<147456xi32, #tpu.memory_space<hbm>> -> memref<1152xi32, #tpu.memory_space<hbm>>
    tpu.enqueue_dma source(%arg15 : memref<1152xi32, #tpu.memory_space<vmem>>) target(%dma_start3A_133 : memref<1152xi32, #tpu.memory_space<hbm>>) target_semaphore(%arg39 : memref<!tpu.dma_semaphore, #tpu.memory_space<semaphore_mem>>)
    %dma_wait3A_134 = arith.constant 0 : i32
    %dma_wait3A_135 = tpu.memref_slice %arg35[%dma_wait3A_134] : memref<147464xi32, #tpu.memory_space<vmem_shared>> -> memref<147464xi32, #tpu.memory_space<vmem_shared>>
    tpu.wait_indirect_dma semaphore(%arg44 : memref<!tpu.dma_semaphore, #tpu.memory_space<semaphore_mem>>) src(%dma_wait3A_135 : memref<147464xi32, #tpu.memory_space<vmem_shared>>) dst(%arg31 : memref<1152xi32, #tpu.memory_space<vmem>>)
    %dma_start3A_136 = tpu.memref_slice %arg8[%add3A_115] : memref<147456xi32, #tpu.memory_space<hbm>> -> memref<1152xi32, #tpu.memory_space<hbm>>
    %dma_start3A_137 = tpu.memref_slice %arg8[%add3A_115] : memref<147456xi32, #tpu.memory_space<hbm>> -> memref<1152xi32, #tpu.memory_space<hbm>>
    tpu.enqueue_dma source(%arg31 : memref<1152xi32, #tpu.memory_space<vmem>>) target(%dma_start3A_137 : memref<1152xi32, #tpu.memory_space<hbm>>) target_semaphore(%arg43 : memref<!tpu.dma_semaphore, #tpu.memory_space<semaphore_mem>>)
    %dma_wait3A_138 = arith.constant 0 : i32
    %dma_wait3A_139 = tpu.memref_slice %arg36[%dma_wait3A_138] : memref<147464xi32, #tpu.memory_space<vmem_shared>> -> memref<147464xi32, #tpu.memory_space<vmem_shared>>
    tpu.wait_indirect_dma semaphore(%arg40 : memref<!tpu.dma_semaphore, #tpu.memory_space<semaphore_mem>>) src(%dma_wait3A_139 : memref<147464xi32, #tpu.memory_space<vmem_shared>>) dst(%arg16 : memref<1152xi32, #tpu.memory_space<vmem>>)
    %dma_start3A_140 = arith.constant 0 : i32
    %dma_start3A_141 = tpu.memref_slice %arg38[%dma_start3A_140] : memref<147456xi32, #tpu.memory_space<vmem_shared>> -> memref<147456xi32, #tpu.memory_space<vmem_shared>>
    tpu.enqueue_indirect_dma source(%dma_start3A_141 : memref<147456xi32, #tpu.memory_space<vmem_shared>>) target(%arg20 : memref<1152xi32, #tpu.memory_space<vmem>>) offsets(%arg16 : memref<1152xi32, #tpu.memory_space<vmem>>) semaphore(%arg41 : memref<!tpu.dma_semaphore, #tpu.memory_space<semaphore_mem>>)
    %dma_start3A_142 = tpu.memref_slice %arg9[%add3A_103] : memref<147456xi32, #tpu.memory_space<hbm>> -> memref<1152xi32, #tpu.memory_space<hbm>>
    %dma_start3A_143 = tpu.memref_slice %arg9[%add3A_103] : memref<147456xi32, #tpu.memory_space<hbm>> -> memref<1152xi32, #tpu.memory_space<hbm>>
    tpu.enqueue_dma source(%arg16 : memref<1152xi32, #tpu.memory_space<vmem>>) target(%dma_start3A_143 : memref<1152xi32, #tpu.memory_space<hbm>>) target_semaphore(%arg39 : memref<!tpu.dma_semaphore, #tpu.memory_space<semaphore_mem>>)
    %dma_wait3A_144 = arith.constant 0 : i32
    %dma_wait3A_145 = tpu.memref_slice %arg35[%dma_wait3A_144] : memref<147464xi32, #tpu.memory_space<vmem_shared>> -> memref<147464xi32, #tpu.memory_space<vmem_shared>>
    tpu.wait_indirect_dma semaphore(%arg44 : memref<!tpu.dma_semaphore, #tpu.memory_space<semaphore_mem>>) src(%dma_wait3A_145 : memref<147464xi32, #tpu.memory_space<vmem_shared>>) dst(%arg32 : memref<1152xi32, #tpu.memory_space<vmem>>)
    %dma_start3A_146 = tpu.memref_slice %arg8[%add3A_119] : memref<147456xi32, #tpu.memory_space<hbm>> -> memref<1152xi32, #tpu.memory_space<hbm>>
    %dma_start3A_147 = tpu.memref_slice %arg8[%add3A_119] : memref<147456xi32, #tpu.memory_space<hbm>> -> memref<1152xi32, #tpu.memory_space<hbm>>
    tpu.enqueue_dma source(%arg32 : memref<1152xi32, #tpu.memory_space<vmem>>) target(%dma_start3A_147 : memref<1152xi32, #tpu.memory_space<hbm>>) target_semaphore(%arg43 : memref<!tpu.dma_semaphore, #tpu.memory_space<semaphore_mem>>)
    %dma_wait3A_148 = arith.constant 0 : i32
    %dma_wait3A_149 = tpu.memref_slice %arg36[%dma_wait3A_148] : memref<147464xi32, #tpu.memory_space<vmem_shared>> -> memref<147464xi32, #tpu.memory_space<vmem_shared>>
    tpu.wait_indirect_dma semaphore(%arg40 : memref<!tpu.dma_semaphore, #tpu.memory_space<semaphore_mem>>) src(%dma_wait3A_149 : memref<147464xi32, #tpu.memory_space<vmem_shared>>) dst(%arg17 : memref<1152xi32, #tpu.memory_space<vmem>>)
    %dma_start3A_150 = arith.constant 0 : i32
    %dma_start3A_151 = tpu.memref_slice %arg38[%dma_start3A_150] : memref<147456xi32, #tpu.memory_space<vmem_shared>> -> memref<147456xi32, #tpu.memory_space<vmem_shared>>
    tpu.enqueue_indirect_dma source(%dma_start3A_151 : memref<147456xi32, #tpu.memory_space<vmem_shared>>) target(%arg21 : memref<1152xi32, #tpu.memory_space<vmem>>) offsets(%arg17 : memref<1152xi32, #tpu.memory_space<vmem>>) semaphore(%arg41 : memref<!tpu.dma_semaphore, #tpu.memory_space<semaphore_mem>>)
    %dma_start3A_152 = tpu.memref_slice %arg9[%add3A_107] : memref<147456xi32, #tpu.memory_space<hbm>> -> memref<1152xi32, #tpu.memory_space<hbm>>
    %dma_start3A_153 = tpu.memref_slice %arg9[%add3A_107] : memref<147456xi32, #tpu.memory_space<hbm>> -> memref<1152xi32, #tpu.memory_space<hbm>>
    tpu.enqueue_dma source(%arg17 : memref<1152xi32, #tpu.memory_space<vmem>>) target(%dma_start3A_153 : memref<1152xi32, #tpu.memory_space<hbm>>) target_semaphore(%arg39 : memref<!tpu.dma_semaphore, #tpu.memory_space<semaphore_mem>>)
    %dma_wait3A_154 = arith.constant 0 : i32
    %dma_wait3A_155 = tpu.memref_slice %arg35[%dma_wait3A_154] : memref<147464xi32, #tpu.memory_space<vmem_shared>> -> memref<147464xi32, #tpu.memory_space<vmem_shared>>
    tpu.wait_indirect_dma semaphore(%arg44 : memref<!tpu.dma_semaphore, #tpu.memory_space<semaphore_mem>>) src(%dma_wait3A_155 : memref<147464xi32, #tpu.memory_space<vmem_shared>>) dst(%arg33 : memref<1152xi32, #tpu.memory_space<vmem>>)
    %dma_start3A_156 = tpu.memref_slice %arg8[%add3A_123] : memref<147456xi32, #tpu.memory_space<hbm>> -> memref<1152xi32, #tpu.memory_space<hbm>>
    %dma_start3A_157 = tpu.memref_slice %arg8[%add3A_123] : memref<147456xi32, #tpu.memory_space<hbm>> -> memref<1152xi32, #tpu.memory_space<hbm>>
    tpu.enqueue_dma source(%arg33 : memref<1152xi32, #tpu.memory_space<vmem>>) target(%dma_start3A_157 : memref<1152xi32, #tpu.memory_space<hbm>>) target_semaphore(%arg43 : memref<!tpu.dma_semaphore, #tpu.memory_space<semaphore_mem>>)
    %dma_wait3A_158 = arith.constant 0 : i32
    %dma_wait3A_159 = tpu.memref_slice %arg36[%dma_wait3A_158] : memref<147464xi32, #tpu.memory_space<vmem_shared>> -> memref<147464xi32, #tpu.memory_space<vmem_shared>>
    tpu.wait_indirect_dma semaphore(%arg40 : memref<!tpu.dma_semaphore, #tpu.memory_space<semaphore_mem>>) src(%dma_wait3A_159 : memref<147464xi32, #tpu.memory_space<vmem_shared>>) dst(%arg18 : memref<1152xi32, #tpu.memory_space<vmem>>)
    %dma_start3A_160 = arith.constant 0 : i32
    %dma_start3A_161 = tpu.memref_slice %arg38[%dma_start3A_160] : memref<147456xi32, #tpu.memory_space<vmem_shared>> -> memref<147456xi32, #tpu.memory_space<vmem_shared>>
    tpu.enqueue_indirect_dma source(%dma_start3A_161 : memref<147456xi32, #tpu.memory_space<vmem_shared>>) target(%arg22 : memref<1152xi32, #tpu.memory_space<vmem>>) offsets(%arg18 : memref<1152xi32, #tpu.memory_space<vmem>>) semaphore(%arg41 : memref<!tpu.dma_semaphore, #tpu.memory_space<semaphore_mem>>)
    %dma_start3A_162 = tpu.memref_slice %arg9[%add3A_111] : memref<147456xi32, #tpu.memory_space<hbm>> -> memref<1152xi32, #tpu.memory_space<hbm>>
    %dma_start3A_163 = tpu.memref_slice %arg9[%add3A_111] : memref<147456xi32, #tpu.memory_space<hbm>> -> memref<1152xi32, #tpu.memory_space<hbm>>
    tpu.enqueue_dma source(%arg18 : memref<1152xi32, #tpu.memory_space<vmem>>) target(%dma_start3A_163 : memref<1152xi32, #tpu.memory_space<hbm>>) target_semaphore(%arg39 : memref<!tpu.dma_semaphore, #tpu.memory_space<semaphore_mem>>)
    %dma_wait3A_164 = arith.constant 0 : i32
    %dma_wait3A_165 = tpu.memref_slice %arg35[%dma_wait3A_164] : memref<147464xi32, #tpu.memory_space<vmem_shared>> -> memref<147464xi32, #tpu.memory_space<vmem_shared>>
    tpu.wait_indirect_dma semaphore(%arg44 : memref<!tpu.dma_semaphore, #tpu.memory_space<semaphore_mem>>) src(%dma_wait3A_165 : memref<147464xi32, #tpu.memory_space<vmem_shared>>) dst(%arg34 : memref<1152xi32, #tpu.memory_space<vmem>>)
    %dma_start3A_166 = tpu.memref_slice %arg8[%add3A_127] : memref<147456xi32, #tpu.memory_space<hbm>> -> memref<1152xi32, #tpu.memory_space<hbm>>
    %dma_start3A_167 = tpu.memref_slice %arg8[%add3A_127] : memref<147456xi32, #tpu.memory_space<hbm>> -> memref<1152xi32, #tpu.memory_space<hbm>>
    tpu.enqueue_dma source(%arg34 : memref<1152xi32, #tpu.memory_space<vmem>>) target(%dma_start3A_167 : memref<1152xi32, #tpu.memory_space<hbm>>) target_semaphore(%arg43 : memref<!tpu.dma_semaphore, #tpu.memory_space<semaphore_mem>>)
    %mul3A_168 = arith.constant 4608 : i32
    %mul3A_169 = arith.muli %add3A, %mul3A_168 : i32
    %add3A_170 = arith.constant 0 : i32
    %add3A_171 = arith.addi %mul3A_169, %add3A_170 : i32
    %mul3A_172 = arith.constant 4608 : i32
    %mul3A_173 = arith.muli %add3A, %mul3A_172 : i32
    %add3A_174 = arith.constant 1152 : i32
    %add3A_175 = arith.addi %mul3A_173, %add3A_174 : i32
    %mul3A_176 = arith.constant 4608 : i32
    %mul3A_177 = arith.muli %add3A, %mul3A_176 : i32
    %add3A_178 = arith.constant 2304 : i32
    %add3A_179 = arith.addi %mul3A_177, %add3A_178 : i32
    %mul3A_180 = arith.constant 4608 : i32
    %mul3A_181 = arith.muli %add3A, %mul3A_180 : i32
    %add3A_182 = arith.constant 3456 : i32
    %add3A_183 = arith.addi %mul3A_181, %add3A_182 : i32
    %dma_wait3A_184 = arith.constant 0 : i32
    %dma_wait3A_185 = tpu.memref_slice %arg38[%dma_wait3A_184] : memref<147456xi32, #tpu.memory_space<vmem_shared>> -> memref<147456xi32, #tpu.memory_space<vmem_shared>>
    tpu.wait_indirect_dma semaphore(%arg41 : memref<!tpu.dma_semaphore, #tpu.memory_space<semaphore_mem>>) src(%dma_wait3A_185 : memref<147456xi32, #tpu.memory_space<vmem_shared>>) dst(%arg19 : memref<1152xi32, #tpu.memory_space<vmem>>)
    %dma_start3A_186 = arith.constant 0 : i32
    %dma_start3A_187 = tpu.memref_slice %arg37[%dma_start3A_186] : memref<147464xi32, #tpu.memory_space<vmem_shared>> -> memref<147464xi32, #tpu.memory_space<vmem_shared>>
    tpu.enqueue_indirect_dma source(%dma_start3A_187 : memref<147464xi32, #tpu.memory_space<vmem_shared>>) target(%arg23 : memref<1152xi32, #tpu.memory_space<vmem>>) offsets(%arg19 : memref<1152xi32, #tpu.memory_space<vmem>>) semaphore(%arg42 : memref<!tpu.dma_semaphore, #tpu.memory_space<semaphore_mem>>)
    %dma_wait3A_188 = arith.constant 0 : i32
    %dma_wait3A_189 = tpu.memref_slice %arg38[%dma_wait3A_188] : memref<147456xi32, #tpu.memory_space<vmem_shared>> -> memref<147456xi32, #tpu.memory_space<vmem_shared>>
    tpu.wait_indirect_dma semaphore(%arg41 : memref<!tpu.dma_semaphore, #tpu.memory_space<semaphore_mem>>) src(%dma_wait3A_189 : memref<147456xi32, #tpu.memory_space<vmem_shared>>) dst(%arg20 : memref<1152xi32, #tpu.memory_space<vmem>>)
    %dma_start3A_190 = arith.constant 0 : i32
    %dma_start3A_191 = tpu.memref_slice %arg37[%dma_start3A_190] : memref<147464xi32, #tpu.memory_space<vmem_shared>> -> memref<147464xi32, #tpu.memory_space<vmem_shared>>
    tpu.enqueue_indirect_dma source(%dma_start3A_191 : memref<147464xi32, #tpu.memory_space<vmem_shared>>) target(%arg24 : memref<1152xi32, #tpu.memory_space<vmem>>) offsets(%arg20 : memref<1152xi32, #tpu.memory_space<vmem>>) semaphore(%arg42 : memref<!tpu.dma_semaphore, #tpu.memory_space<semaphore_mem>>)
    %dma_wait3A_192 = arith.constant 0 : i32
    %dma_wait3A_193 = tpu.memref_slice %arg38[%dma_wait3A_192] : memref<147456xi32, #tpu.memory_space<vmem_shared>> -> memref<147456xi32, #tpu.memory_space<vmem_shared>>
    tpu.wait_indirect_dma semaphore(%arg41 : memref<!tpu.dma_semaphore, #tpu.memory_space<semaphore_mem>>) src(%dma_wait3A_193 : memref<147456xi32, #tpu.memory_space<vmem_shared>>) dst(%arg21 : memref<1152xi32, #tpu.memory_space<vmem>>)
    %dma_start3A_194 = arith.constant 0 : i32
    %dma_start3A_195 = tpu.memref_slice %arg37[%dma_start3A_194] : memref<147464xi32, #tpu.memory_space<vmem_shared>> -> memref<147464xi32, #tpu.memory_space<vmem_shared>>
    tpu.enqueue_indirect_dma source(%dma_start3A_195 : memref<147464xi32, #tpu.memory_space<vmem_shared>>) target(%arg25 : memref<1152xi32, #tpu.memory_space<vmem>>) offsets(%arg21 : memref<1152xi32, #tpu.memory_space<vmem>>) semaphore(%arg42 : memref<!tpu.dma_semaphore, #tpu.memory_space<semaphore_mem>>)
    %dma_wait3A_196 = arith.constant 0 : i32
    %dma_wait3A_197 = tpu.memref_slice %arg38[%dma_wait3A_196] : memref<147456xi32, #tpu.memory_space<vmem_shared>> -> memref<147456xi32, #tpu.memory_space<vmem_shared>>
    tpu.wait_indirect_dma semaphore(%arg41 : memref<!tpu.dma_semaphore, #tpu.memory_space<semaphore_mem>>) src(%dma_wait3A_197 : memref<147456xi32, #tpu.memory_space<vmem_shared>>) dst(%arg22 : memref<1152xi32, #tpu.memory_space<vmem>>)
    %dma_start3A_198 = arith.constant 0 : i32
    %dma_start3A_199 = tpu.memref_slice %arg37[%dma_start3A_198] : memref<147464xi32, #tpu.memory_space<vmem_shared>> -> memref<147464xi32, #tpu.memory_space<vmem_shared>>
    tpu.enqueue_indirect_dma source(%dma_start3A_199 : memref<147464xi32, #tpu.memory_space<vmem_shared>>) target(%arg26 : memref<1152xi32, #tpu.memory_space<vmem>>) offsets(%arg22 : memref<1152xi32, #tpu.memory_space<vmem>>) semaphore(%arg42 : memref<!tpu.dma_semaphore, #tpu.memory_space<semaphore_mem>>)
    %dma_wait3A_200 = arith.constant 0 : i32
    %dma_wait3A_201 = tpu.memref_slice %arg37[%dma_wait3A_200] : memref<147464xi32, #tpu.memory_space<vmem_shared>> -> memref<147464xi32, #tpu.memory_space<vmem_shared>>
    tpu.wait_indirect_dma semaphore(%arg42 : memref<!tpu.dma_semaphore, #tpu.memory_space<semaphore_mem>>) src(%dma_wait3A_201 : memref<147464xi32, #tpu.memory_space<vmem_shared>>) dst(%arg23 : memref<1152xi32, #tpu.memory_space<vmem>>)
    %dma_start3A_202 = tpu.memref_slice %arg10[%add3A_171] : memref<147456xi32, #tpu.memory_space<hbm>> -> memref<1152xi32, #tpu.memory_space<hbm>>
    %dma_start3A_203 = tpu.memref_slice %arg10[%add3A_171] : memref<147456xi32, #tpu.memory_space<hbm>> -> memref<1152xi32, #tpu.memory_space<hbm>>
    tpu.enqueue_dma source(%arg23 : memref<1152xi32, #tpu.memory_space<vmem>>) target(%dma_start3A_203 : memref<1152xi32, #tpu.memory_space<hbm>>) target_semaphore(%arg41 : memref<!tpu.dma_semaphore, #tpu.memory_space<semaphore_mem>>)
    %dma_wait3A_204 = arith.constant 0 : i32
    %dma_wait3A_205 = tpu.memref_slice %arg37[%dma_wait3A_204] : memref<147464xi32, #tpu.memory_space<vmem_shared>> -> memref<147464xi32, #tpu.memory_space<vmem_shared>>
    tpu.wait_indirect_dma semaphore(%arg42 : memref<!tpu.dma_semaphore, #tpu.memory_space<semaphore_mem>>) src(%dma_wait3A_205 : memref<147464xi32, #tpu.memory_space<vmem_shared>>) dst(%arg24 : memref<1152xi32, #tpu.memory_space<vmem>>)
    %dma_start3A_206 = tpu.memref_slice %arg10[%add3A_175] : memref<147456xi32, #tpu.memory_space<hbm>> -> memref<1152xi32, #tpu.memory_space<hbm>>
    %dma_start3A_207 = tpu.memref_slice %arg10[%add3A_175] : memref<147456xi32, #tpu.memory_space<hbm>> -> memref<1152xi32, #tpu.memory_space<hbm>>
    tpu.enqueue_dma source(%arg24 : memref<1152xi32, #tpu.memory_space<vmem>>) target(%dma_start3A_207 : memref<1152xi32, #tpu.memory_space<hbm>>) target_semaphore(%arg41 : memref<!tpu.dma_semaphore, #tpu.memory_space<semaphore_mem>>)
    %dma_wait3A_208 = arith.constant 0 : i32
    %dma_wait3A_209 = tpu.memref_slice %arg37[%dma_wait3A_208] : memref<147464xi32, #tpu.memory_space<vmem_shared>> -> memref<147464xi32, #tpu.memory_space<vmem_shared>>
    tpu.wait_indirect_dma semaphore(%arg42 : memref<!tpu.dma_semaphore, #tpu.memory_space<semaphore_mem>>) src(%dma_wait3A_209 : memref<147464xi32, #tpu.memory_space<vmem_shared>>) dst(%arg25 : memref<1152xi32, #tpu.memory_space<vmem>>)
    %dma_start3A_210 = tpu.memref_slice %arg10[%add3A_179] : memref<147456xi32, #tpu.memory_space<hbm>> -> memref<1152xi32, #tpu.memory_space<hbm>>
    %dma_start3A_211 = tpu.memref_slice %arg10[%add3A_179] : memref<147456xi32, #tpu.memory_space<hbm>> -> memref<1152xi32, #tpu.memory_space<hbm>>
    tpu.enqueue_dma source(%arg25 : memref<1152xi32, #tpu.memory_space<vmem>>) target(%dma_start3A_211 : memref<1152xi32, #tpu.memory_space<hbm>>) target_semaphore(%arg41 : memref<!tpu.dma_semaphore, #tpu.memory_space<semaphore_mem>>)
    %dma_wait3A_212 = arith.constant 0 : i32
    %dma_wait3A_213 = tpu.memref_slice %arg37[%dma_wait3A_212] : memref<147464xi32, #tpu.memory_space<vmem_shared>> -> memref<147464xi32, #tpu.memory_space<vmem_shared>>
    tpu.wait_indirect_dma semaphore(%arg42 : memref<!tpu.dma_semaphore, #tpu.memory_space<semaphore_mem>>) src(%dma_wait3A_213 : memref<147464xi32, #tpu.memory_space<vmem_shared>>) dst(%arg26 : memref<1152xi32, #tpu.memory_space<vmem>>)
    %dma_start3A_214 = tpu.memref_slice %arg10[%add3A_183] : memref<147456xi32, #tpu.memory_space<hbm>> -> memref<1152xi32, #tpu.memory_space<hbm>>
    %dma_start3A_215 = tpu.memref_slice %arg10[%add3A_183] : memref<147456xi32, #tpu.memory_space<hbm>> -> memref<1152xi32, #tpu.memory_space<hbm>>
    tpu.enqueue_dma source(%arg26 : memref<1152xi32, #tpu.memory_space<vmem>>) target(%dma_start3A_215 : memref<1152xi32, #tpu.memory_space<hbm>>) target_semaphore(%arg41 : memref<!tpu.dma_semaphore, #tpu.memory_space<semaphore_mem>>)
    %dma_wait3A_216 = tpu.memref_slice %arg9[%add3A_99] : memref<147456xi32, #tpu.memory_space<hbm>> -> memref<1152xi32, #tpu.memory_space<hbm>>
    %dma_wait3A_217 = tpu.memref_slice %arg9[%add3A_99] : memref<147456xi32, #tpu.memory_space<hbm>> -> memref<1152xi32, #tpu.memory_space<hbm>>
    tpu.wait_dma2 semaphore(%arg39 : memref<!tpu.dma_semaphore, #tpu.memory_space<semaphore_mem>>) src(%arg15 : memref<1152xi32, #tpu.memory_space<vmem>>) dst(%dma_wait3A_217 : memref<1152xi32, #tpu.memory_space<hbm>>)
    %dma_wait3A_218 = tpu.memref_slice %arg8[%add3A_115] : memref<147456xi32, #tpu.memory_space<hbm>> -> memref<1152xi32, #tpu.memory_space<hbm>>
    %dma_wait3A_219 = tpu.memref_slice %arg8[%add3A_115] : memref<147456xi32, #tpu.memory_space<hbm>> -> memref<1152xi32, #tpu.memory_space<hbm>>
    tpu.wait_dma2 semaphore(%arg43 : memref<!tpu.dma_semaphore, #tpu.memory_space<semaphore_mem>>) src(%arg31 : memref<1152xi32, #tpu.memory_space<vmem>>) dst(%dma_wait3A_219 : memref<1152xi32, #tpu.memory_space<hbm>>)
    %dma_wait3A_220 = tpu.memref_slice %arg10[%add3A_171] : memref<147456xi32, #tpu.memory_space<hbm>> -> memref<1152xi32, #tpu.memory_space<hbm>>
    %dma_wait3A_221 = tpu.memref_slice %arg10[%add3A_171] : memref<147456xi32, #tpu.memory_space<hbm>> -> memref<1152xi32, #tpu.memory_space<hbm>>
    tpu.wait_dma2 semaphore(%arg41 : memref<!tpu.dma_semaphore, #tpu.memory_space<semaphore_mem>>) src(%arg23 : memref<1152xi32, #tpu.memory_space<vmem>>) dst(%dma_wait3A_221 : memref<1152xi32, #tpu.memory_space<hbm>>)
    %dma_wait3A_222 = tpu.memref_slice %arg9[%add3A_103] : memref<147456xi32, #tpu.memory_space<hbm>> -> memref<1152xi32, #tpu.memory_space<hbm>>
    %dma_wait3A_223 = tpu.memref_slice %arg9[%add3A_103] : memref<147456xi32, #tpu.memory_space<hbm>> -> memref<1152xi32, #tpu.memory_space<hbm>>
    tpu.wait_dma2 semaphore(%arg39 : memref<!tpu.dma_semaphore, #tpu.memory_space<semaphore_mem>>) src(%arg16 : memref<1152xi32, #tpu.memory_space<vmem>>) dst(%dma_wait3A_223 : memref<1152xi32, #tpu.memory_space<hbm>>)
    %dma_wait3A_224 = tpu.memref_slice %arg8[%add3A_119] : memref<147456xi32, #tpu.memory_space<hbm>> -> memref<1152xi32, #tpu.memory_space<hbm>>
    %dma_wait3A_225 = tpu.memref_slice %arg8[%add3A_119] : memref<147456xi32, #tpu.memory_space<hbm>> -> memref<1152xi32, #tpu.memory_space<hbm>>
    tpu.wait_dma2 semaphore(%arg43 : memref<!tpu.dma_semaphore, #tpu.memory_space<semaphore_mem>>) src(%arg32 : memref<1152xi32, #tpu.memory_space<vmem>>) dst(%dma_wait3A_225 : memref<1152xi32, #tpu.memory_space<hbm>>)
    %dma_wait3A_226 = tpu.memref_slice %arg10[%add3A_175] : memref<147456xi32, #tpu.memory_space<hbm>> -> memref<1152xi32, #tpu.memory_space<hbm>>
    %dma_wait3A_227 = tpu.memref_slice %arg10[%add3A_175] : memref<147456xi32, #tpu.memory_space<hbm>> -> memref<1152xi32, #tpu.memory_space<hbm>>
    tpu.wait_dma2 semaphore(%arg41 : memref<!tpu.dma_semaphore, #tpu.memory_space<semaphore_mem>>) src(%arg24 : memref<1152xi32, #tpu.memory_space<vmem>>) dst(%dma_wait3A_227 : memref<1152xi32, #tpu.memory_space<hbm>>)
    %dma_wait3A_228 = tpu.memref_slice %arg9[%add3A_107] : memref<147456xi32, #tpu.memory_space<hbm>> -> memref<1152xi32, #tpu.memory_space<hbm>>
    %dma_wait3A_229 = tpu.memref_slice %arg9[%add3A_107] : memref<147456xi32, #tpu.memory_space<hbm>> -> memref<1152xi32, #tpu.memory_space<hbm>>
    tpu.wait_dma2 semaphore(%arg39 : memref<!tpu.dma_semaphore, #tpu.memory_space<semaphore_mem>>) src(%arg17 : memref<1152xi32, #tpu.memory_space<vmem>>) dst(%dma_wait3A_229 : memref<1152xi32, #tpu.memory_space<hbm>>)
    %dma_wait3A_230 = tpu.memref_slice %arg8[%add3A_123] : memref<147456xi32, #tpu.memory_space<hbm>> -> memref<1152xi32, #tpu.memory_space<hbm>>
    %dma_wait3A_231 = tpu.memref_slice %arg8[%add3A_123] : memref<147456xi32, #tpu.memory_space<hbm>> -> memref<1152xi32, #tpu.memory_space<hbm>>
    tpu.wait_dma2 semaphore(%arg43 : memref<!tpu.dma_semaphore, #tpu.memory_space<semaphore_mem>>) src(%arg33 : memref<1152xi32, #tpu.memory_space<vmem>>) dst(%dma_wait3A_231 : memref<1152xi32, #tpu.memory_space<hbm>>)
    %dma_wait3A_232 = tpu.memref_slice %arg10[%add3A_179] : memref<147456xi32, #tpu.memory_space<hbm>> -> memref<1152xi32, #tpu.memory_space<hbm>>
    %dma_wait3A_233 = tpu.memref_slice %arg10[%add3A_179] : memref<147456xi32, #tpu.memory_space<hbm>> -> memref<1152xi32, #tpu.memory_space<hbm>>
    tpu.wait_dma2 semaphore(%arg41 : memref<!tpu.dma_semaphore, #tpu.memory_space<semaphore_mem>>) src(%arg25 : memref<1152xi32, #tpu.memory_space<vmem>>) dst(%dma_wait3A_233 : memref<1152xi32, #tpu.memory_space<hbm>>)
    %dma_wait3A_234 = tpu.memref_slice %arg9[%add3A_111] : memref<147456xi32, #tpu.memory_space<hbm>> -> memref<1152xi32, #tpu.memory_space<hbm>>
    %dma_wait3A_235 = tpu.memref_slice %arg9[%add3A_111] : memref<147456xi32, #tpu.memory_space<hbm>> -> memref<1152xi32, #tpu.memory_space<hbm>>
    tpu.wait_dma2 semaphore(%arg39 : memref<!tpu.dma_semaphore, #tpu.memory_space<semaphore_mem>>) src(%arg18 : memref<1152xi32, #tpu.memory_space<vmem>>) dst(%dma_wait3A_235 : memref<1152xi32, #tpu.memory_space<hbm>>)
    %dma_wait3A_236 = tpu.memref_slice %arg8[%add3A_127] : memref<147456xi32, #tpu.memory_space<hbm>> -> memref<1152xi32, #tpu.memory_space<hbm>>
    %dma_wait3A_237 = tpu.memref_slice %arg8[%add3A_127] : memref<147456xi32, #tpu.memory_space<hbm>> -> memref<1152xi32, #tpu.memory_space<hbm>>
    tpu.wait_dma2 semaphore(%arg43 : memref<!tpu.dma_semaphore, #tpu.memory_space<semaphore_mem>>) src(%arg34 : memref<1152xi32, #tpu.memory_space<vmem>>) dst(%dma_wait3A_237 : memref<1152xi32, #tpu.memory_space<hbm>>)
    %dma_wait3A_238 = tpu.memref_slice %arg10[%add3A_183] : memref<147456xi32, #tpu.memory_space<hbm>> -> memref<1152xi32, #tpu.memory_space<hbm>>
    %dma_wait3A_239 = tpu.memref_slice %arg10[%add3A_183] : memref<147456xi32, #tpu.memory_space<hbm>> -> memref<1152xi32, #tpu.memory_space<hbm>>
    tpu.wait_dma2 semaphore(%arg41 : memref<!tpu.dma_semaphore, #tpu.memory_space<semaphore_mem>>) src(%arg26 : memref<1152xi32, #tpu.memory_space<vmem>>) dst(%dma_wait3A_239 : memref<1152xi32, #tpu.memory_space<hbm>>)
    return
  }
}

module attributes {stable_mosaic.version = 14 : i64} {
  func.func @_gt_kernel(%arg0: i32, %arg1: memref<128x4xf32, #tpu.memory_space<smem>>, %arg2: memref<1x9xf32, #tpu.memory_space<smem>>, %arg3: memref<1x9xf32, #tpu.memory_space<smem>>, %arg4: memref<1152x128xf32, #tpu.memory_space<vmem>>, %arg5: memref<1152x128xf32, #tpu.memory_space<vmem>>, %arg6: memref<1152x128xf32, #tpu.memory_space<vmem>>, %arg7: memref<1152x128xf32, #tpu.memory_space<vmem>>, %arg8: memref<1x128xf32, #tpu.memory_space<vmem>>, %arg9: memref<1x128xi32, #tpu.memory_space<vmem>>, %arg10: memref<1x128xf32, #tpu.memory_space<vmem>>, %arg11: memref<1x128xi32, #tpu.memory_space<vmem>>) attributes {dimension_semantics = [#tpu.dimension_semantics<arbitrary>], iteration_bounds = array<i64: 128>, scalar_prefetch = 0 : i64, scratch_operands = 2 : i64, tpu.core_type = #tpu.core_type<tc>, window_params = [{transform_indices = @transform_0, window_bounds = array<i64: 128, 4>}, {transform_indices = @transform_1, window_bounds = array<i64: 1, 9>}, {transform_indices = @transform_2, window_bounds = array<i64: 1, 9>}, {pipeline_mode = #tpu.pipeline_mode<synchronous>, transform_indices = @transform_3, window_bounds = array<i64: 1152, 128>}, {pipeline_mode = #tpu.pipeline_mode<synchronous>, transform_indices = @transform_4, window_bounds = array<i64: 1152, 128>}, {pipeline_mode = #tpu.pipeline_mode<synchronous>, transform_indices = @transform_5, window_bounds = array<i64: 1152, 128>}, {pipeline_mode = #tpu.pipeline_mode<synchronous>, transform_indices = @transform_6, window_bounds = array<i64: 1152, 128>}, {pipeline_mode = #tpu.pipeline_mode<synchronous>, transform_indices = @transform_7, window_bounds = array<i64: 1, 128>}, {pipeline_mode = #tpu.pipeline_mode<synchronous>, transform_indices = @transform_8, window_bounds = array<i64: 1, 128>}]} {
    %get3A = arith.index_cast %arg0 : i32 to index
    %get3A_0 = arith.constant 0 : index
    %get3A_1 = memref.load %arg1[%get3A, %get3A_0] : memref<128x4xf32, #tpu.memory_space<smem>>
    %get3A_2 = arith.index_cast %arg0 : i32 to index
    %get3A_3 = arith.constant 1 : index
    %get3A_4 = memref.load %arg1[%get3A_2, %get3A_3] : memref<128x4xf32, #tpu.memory_space<smem>>
    %get3A_5 = arith.index_cast %arg0 : i32 to index
    %get3A_6 = arith.constant 2 : index
    %get3A_7 = memref.load %arg1[%get3A_5, %get3A_6] : memref<128x4xf32, #tpu.memory_space<smem>>
    %get3A_8 = arith.index_cast %arg0 : i32 to index
    %get3A_9 = arith.constant 3 : index
    %get3A_10 = memref.load %arg1[%get3A_8, %get3A_9] : memref<128x4xf32, #tpu.memory_space<smem>>
    %sub3A = arith.subf %get3A_7, %get3A_1 : f32
    %add3A = arith.constant 1.000000e+00 : f32
    %add3A_11 = arith.addf %sub3A, %add3A : f32
    %sub3A_12 = arith.subf %get3A_10, %get3A_4 : f32
    %add3A_13 = arith.constant 1.000000e+00 : f32
    %add3A_14 = arith.addf %sub3A_12, %add3A_13 : f32
    %mul3A = arith.mulf %add3A_11, %add3A_14 : f32
    %iota3A = tpu.iota {dimensions = array<i32: 0>} : vector<128x128xi32>
    %mul3A_15 = arith.constant 128 : i32
    %mul3A_16 = vector.broadcast %mul3A_15 : i32 to vector<128x128xi32>
    %mul3A_17 = arith.muli %iota3A, %mul3A_16 : vector<128x128xi32>
    %iota3A_18 = tpu.iota {dimensions = array<i32: 1>} : vector<128x128xi32>
    %add3A_19 = arith.addi %mul3A_17, %iota3A_18 : vector<128x128xi32>
    %eq3A = arith.constant 0 : i32
    %eq3A_20 = arith.cmpi eq, %arg0, %eq3A : i32
    %convert_element_type3A = arith.extui %eq3A_20 : i1 to i32
    %cond3A = arith.constant 0 : i32
    %cond3A_21 = arith.cmpi ne, %convert_element_type3A, %cond3A : i32
    scf.if %cond3A_21 {
      %broadcast_in_dim3A_64 = arith.constant -1.000000e+00 : f32
      %broadcast_in_dim3A_65 = vector.broadcast %broadcast_in_dim3A_64 : f32 to vector<1x128xf32>
      %swap3A_66 = arith.constant 0 : index
      %swap3A_67 = arith.constant 0 : index
      %swap3A_68 = vector.load %arg10[%swap3A_66, %swap3A_67] : memref<1x128xf32, #tpu.memory_space<vmem>>, vector<1x128xf32>
      tpu.vector_store %arg10[%swap3A_66, %swap3A_67], %broadcast_in_dim3A_65 {strides = array<i32>} : memref<1x128xf32, #tpu.memory_space<vmem>>, vector<1x128xf32>,
      %broadcast_in_dim3A_69 = arith.constant 0 : i32
      %broadcast_in_dim3A_70 = vector.broadcast %broadcast_in_dim3A_69 : i32 to vector<1x128xi32>
      %swap3A_71 = arith.constant 0 : index
      %swap3A_72 = arith.constant 0 : index
      %swap3A_73 = vector.load %arg11[%swap3A_71, %swap3A_72] : memref<1x128xi32, #tpu.memory_space<vmem>>, vector<1x128xi32>
      tpu.vector_store %arg11[%swap3A_71, %swap3A_72], %broadcast_in_dim3A_70 {strides = array<i32>} : memref<1x128xi32, #tpu.memory_space<vmem>>, vector<1x128xi32>,
    } else {
    }
    %broadcast_in_dim3A = arith.constant -1.000000e+00 : f32
    %broadcast_in_dim3A_22 = vector.broadcast %broadcast_in_dim3A : f32 to vector<128x128xf32>
    %broadcast_in_dim3A_23 = arith.constant 0 : i32
    %broadcast_in_dim3A_24 = vector.broadcast %broadcast_in_dim3A_23 : i32 to vector<128x128xi32>
    %scan3A = arith.constant 0 : i32
    %scan3A_25 = arith.constant 9 : i32
    %scan3A_26 = arith.addi %scan3A, %scan3A_25 : i32
    %scan3A_27 = arith.constant 1 : i32
    %scan3A_28:2 = scf.for %scan3A_64 = %scan3A to %scan3A_26 step %scan3A_27 iter_args(%scan3A_65 = %broadcast_in_dim3A_22, %scan3A_66 = %broadcast_in_dim3A_24) -> (vector<128x128xf32>, vector<128x128xi32>)  : i32 {
      %add3A_67 = arith.constant 1.000000e+00 : f32
      %add3A_68 = arith.addf %get3A_10, %add3A_67 : f32
      %get3A_69 = arith.constant 0 : index
      %get3A_70 = arith.index_cast %scan3A_64 : i32 to index
      %get3A_71 = memref.load %arg2[%get3A_69, %get3A_70] : memref<1x9xf32, #tpu.memory_space<smem>>
      %le3A = arith.cmpf ole, %add3A_68, %get3A_71 : f32
      %get3A_72 = arith.constant 0 : index
      %get3A_73 = arith.index_cast %scan3A_64 : i32 to index
      %get3A_74 = memref.load %arg3[%get3A_72, %get3A_73] : memref<1x9xf32, #tpu.memory_space<smem>>
      %add3A_75 = arith.constant 1.000000e+00 : f32
      %add3A_76 = arith.addf %get3A_74, %add3A_75 : f32
      %ge3A = arith.cmpf oge, %get3A_4, %add3A_76 : f32
      %or3A = arith.ori %le3A, %ge3A : i1
      %convert_element_type3A_77 = arith.extui %or3A : i1 to i32
      %cond3A_78 = arith.constant 0 : i32
      %cond3A_79 = arith.cmpi ne, %convert_element_type3A_77, %cond3A_78 : i32
      %cond3A_80:2 = scf.if %cond3A_79 -> (vector<128x128xf32>, vector<128x128xi32>) {
        scf.yield %scan3A_65, %scan3A_66 : vector<128x128xf32>, vector<128x128xi32>
      } else {
        %mul3A_81 = arith.constant 128 : i32
        %mul3A_82 = arith.muli %scan3A_64, %mul3A_81 : i32
        %get3A_83 = arith.index_cast %mul3A_82 : i32 to index
        %get3A_84 = arith.constant 0 : index
        %get3A_85 = vector.load %arg4[%get3A_83, %get3A_84] : memref<1152x128xf32, #tpu.memory_space<vmem>>, vector<128x128xf32>
        %get3A_86 = arith.index_cast %mul3A_82 : i32 to index
        %get3A_87 = arith.constant 0 : index
        %get3A_88 = vector.load %arg5[%get3A_86, %get3A_87] : memref<1152x128xf32, #tpu.memory_space<vmem>>, vector<128x128xf32>
        %get3A_89 = arith.index_cast %mul3A_82 : i32 to index
        %get3A_90 = arith.constant 0 : index
        %get3A_91 = vector.load %arg6[%get3A_89, %get3A_90] : memref<1152x128xf32, #tpu.memory_space<vmem>>, vector<128x128xf32>
        %get3A_92 = arith.index_cast %mul3A_82 : i32 to index
        %get3A_93 = arith.constant 0 : index
        %get3A_94 = vector.load %arg7[%get3A_92, %get3A_93] : memref<1152x128xf32, #tpu.memory_space<vmem>>, vector<128x128xf32>
        %sub3A_95 = arith.subf %get3A_91, %get3A_85 : vector<128x128xf32>
        %add3A_96 = arith.constant 1.000000e+00 : f32
        %add3A_97 = vector.broadcast %add3A_96 : f32 to vector<128x128xf32>
        %add3A_98 = arith.addf %sub3A_95, %add3A_97 : vector<128x128xf32>
        %sub3A_99 = arith.subf %get3A_94, %get3A_88 : vector<128x128xf32>
        %add3A_100 = arith.constant 1.000000e+00 : f32
        %add3A_101 = vector.broadcast %add3A_100 : f32 to vector<128x128xf32>
        %add3A_102 = arith.addf %sub3A_99, %add3A_101 : vector<128x128xf32>
        %mul3A_103 = arith.mulf %add3A_98, %add3A_102 : vector<128x128xf32>
        %min3A = vector.broadcast %get3A_7 : f32 to vector<128x128xf32>
        %min3A_104 = arith.minimumf %get3A_91, %min3A : vector<128x128xf32>
        %max3A = vector.broadcast %get3A_1 : f32 to vector<128x128xf32>
        %max3A_105 = arith.maximumf %get3A_85, %max3A : vector<128x128xf32>
        %sub3A_106 = arith.subf %min3A_104, %max3A_105 : vector<128x128xf32>
        %add3A_107 = arith.constant 1.000000e+00 : f32
        %add3A_108 = vector.broadcast %add3A_107 : f32 to vector<128x128xf32>
        %add3A_109 = arith.addf %sub3A_106, %add3A_108 : vector<128x128xf32>
        %min3A_110 = vector.broadcast %get3A_10 : f32 to vector<128x128xf32>
        %min3A_111 = arith.minimumf %get3A_94, %min3A_110 : vector<128x128xf32>
        %max3A_112 = vector.broadcast %get3A_4 : f32 to vector<128x128xf32>
        %max3A_113 = arith.maximumf %get3A_88, %max3A_112 : vector<128x128xf32>
        %sub3A_114 = arith.subf %min3A_111, %max3A_113 : vector<128x128xf32>
        %add3A_115 = arith.constant 1.000000e+00 : f32
        %add3A_116 = vector.broadcast %add3A_115 : f32 to vector<128x128xf32>
        %add3A_117 = arith.addf %sub3A_114, %add3A_116 : vector<128x128xf32>
        %max3A_118 = arith.constant 0.000000e+00 : f32
        %max3A_119 = vector.broadcast %max3A_118 : f32 to vector<128x128xf32>
        %max3A_120 = arith.maximumf %add3A_109, %max3A_119 : vector<128x128xf32>
        %max3A_121 = arith.constant 0.000000e+00 : f32
        %max3A_122 = vector.broadcast %max3A_121 : f32 to vector<128x128xf32>
        %max3A_123 = arith.maximumf %add3A_117, %max3A_122 : vector<128x128xf32>
        %mul3A_124 = arith.mulf %max3A_120, %max3A_123 : vector<128x128xf32>
        %add3A_125 = vector.broadcast %mul3A : f32 to vector<128x128xf32>
        %add3A_126 = arith.addf %mul3A_103, %add3A_125 : vector<128x128xf32>
        %sub3A_127 = arith.subf %add3A_126, %mul3A_124 : vector<128x128xf32>
        %max3A_128 = arith.constant 9.99999993E-9 : f32
        %max3A_129 = vector.broadcast %max3A_128 : f32 to vector<128x128xf32>
        %max3A_130 = arith.maximumf %sub3A_127, %max3A_129 : vector<128x128xf32>
        %div3A = arith.divf %mul3A_124, %max3A_130 : vector<128x128xf32>
        %gt3A = arith.cmpf ogt, %div3A, %scan3A_65 : vector<128x128xf32>
        %select_n3A_131 = arith.select %gt3A, %div3A, %scan3A_65 : vector<128x128xi1>, vector<128x128xf32>
        %mul3A_132 = arith.constant 16384 : i32
        %mul3A_133 = arith.muli %scan3A_64, %mul3A_132 : i32
        %add3A_134 = vector.broadcast %mul3A_133 : i32 to vector<128x128xi32>
        %add3A_135 = arith.addi %add3A_19, %add3A_134 : vector<128x128xi32>
        %select_n3A_136 = arith.select %gt3A, %add3A_135, %scan3A_66 : vector<128x128xi1>, vector<128x128xi32>
        scf.yield %select_n3A_131, %select_n3A_136 : vector<128x128xf32>, vector<128x128xi32>
      }
      scf.yield %cond3A_80#0, %cond3A_80#1 : vector<128x128xf32>, vector<128x128xi32>
    }
    %scan3A_29 = arith.constant 9 : i32
    %reduce_max3A = vector.shape_cast %scan3A_28#0 : vector<128x128xf32> to vector<1x128x128xf32>
    %reduce_max3A_30 = arith.constant dense<0xFF800000> : vector<1xf32>
    %reduce_max3A_31 = vector.multi_reduction <maximumf>, %reduce_max3A, %reduce_max3A_30 [1, 2] : vector<1x128x128xf32> to vector<1xf32>
    %reduce_max3A_32 = vector.shape_cast %reduce_max3A_31 : vector<1xf32> to vector<1x1x1xf32>
    %reduce_max3A_33 = vector.extract %reduce_max3A_32[0, 0, 0] : f32 from vector<1x1x1xf32>
    %eq3A_34 = vector.broadcast %reduce_max3A_33 : f32 to vector<128x128xf32>
    %eq3A_35 = arith.cmpf oeq, %scan3A_28#0, %eq3A_34 : vector<128x128xf32>
    %jit3A = arith.constant 147456 : i32
    %broadcast_in_dim3A_36 = vector.broadcast %jit3A : i32 to vector<128x128xi32>
    %select_n3A = arith.select %eq3A_35, %scan3A_28#1, %broadcast_in_dim3A_36 : vector<128x128xi1>, vector<128x128xi32>
    %reduce_min3A = vector.shape_cast %select_n3A : vector<128x128xi32> to vector<1x128x128xi32>
    %reduce_min3A_37 = arith.constant dense<2147483647> : vector<1xi32>
    %reduce_min3A_38 = vector.multi_reduction <minsi>, %reduce_min3A, %reduce_min3A_37 [1, 2] : vector<1x128x128xi32> to vector<1xi32>
    %reduce_min3A_39 = vector.shape_cast %reduce_min3A_38 : vector<1xi32> to vector<1x1x1xi32>
    %reduce_min3A_40 = vector.extract %reduce_min3A_39[0, 0, 0] : i32 from vector<1x1x1xi32>
    %iota3A_41 = tpu.iota {dimensions = array<i32: 1>} : vector<1x128xi32>
    %eq3A_42 = vector.broadcast %arg0 : i32 to vector<1x128xi32>
    %eq3A_43 = arith.cmpi eq, %iota3A_41, %eq3A_42 : vector<1x128xi32>
    %get3A_44 = arith.constant 0 : index
    %get3A_45 = arith.constant 0 : index
    %get3A_46 = vector.load %arg10[%get3A_44, %get3A_45] : memref<1x128xf32, #tpu.memory_space<vmem>>, vector<1x128xf32>
    %broadcast_in_dim3A_47 = vector.broadcast %reduce_max3A_33 : f32 to vector<1x128xf32>
    %select_n3A_48 = arith.select %eq3A_43, %broadcast_in_dim3A_47, %get3A_46 : vector<1x128xi1>, vector<1x128xf32>
    %swap3A = arith.constant 0 : index
    %swap3A_49 = arith.constant 0 : index
    %swap3A_50 = vector.load %arg10[%swap3A, %swap3A_49] : memref<1x128xf32, #tpu.memory_space<vmem>>, vector<1x128xf32>
    tpu.vector_store %arg10[%swap3A, %swap3A_49], %select_n3A_48 {strides = array<i32>} : memref<1x128xf32, #tpu.memory_space<vmem>>, vector<1x128xf32>,
    %get3A_51 = arith.constant 0 : index
    %get3A_52 = arith.constant 0 : index
    %get3A_53 = vector.load %arg11[%get3A_51, %get3A_52] : memref<1x128xi32, #tpu.memory_space<vmem>>, vector<1x128xi32>
    %broadcast_in_dim3A_54 = vector.broadcast %reduce_min3A_40 : i32 to vector<1x128xi32>
    %select_n3A_55 = arith.select %eq3A_43, %broadcast_in_dim3A_54, %get3A_53 : vector<1x128xi1>, vector<1x128xi32>
    %swap3A_56 = arith.constant 0 : index
    %swap3A_57 = arith.constant 0 : index
    %swap3A_58 = vector.load %arg11[%swap3A_56, %swap3A_57] : memref<1x128xi32, #tpu.memory_space<vmem>>, vector<1x128xi32>
    tpu.vector_store %arg11[%swap3A_56, %swap3A_57], %select_n3A_55 {strides = array<i32>} : memref<1x128xi32, #tpu.memory_space<vmem>>, vector<1x128xi32>,
    %eq3A_59 = arith.constant 127 : i32
    %eq3A_60 = arith.cmpi eq, %arg0, %eq3A_59 : i32
    %convert_element_type3A_61 = arith.extui %eq3A_60 : i1 to i32
    %cond3A_62 = arith.constant 0 : i32
    %cond3A_63 = arith.cmpi ne, %convert_element_type3A_61, %cond3A_62 : i32
    scf.if %cond3A_63 {
      %get3A_64 = arith.constant 0 : index
      %get3A_65 = arith.constant 0 : index
      %get3A_66 = vector.load %arg10[%get3A_64, %get3A_65] : memref<1x128xf32, #tpu.memory_space<vmem>>, vector<1x128xf32>
      %swap3A_67 = arith.constant 0 : index
      %swap3A_68 = arith.constant 0 : index
      %swap3A_69 = vector.load %arg8[%swap3A_67, %swap3A_68] : memref<1x128xf32, #tpu.memory_space<vmem>>, vector<1x128xf32>
      tpu.vector_store %arg8[%swap3A_67, %swap3A_68], %get3A_66 {strides = array<i32>} : memref<1x128xf32, #tpu.memory_space<vmem>>, vector<1x128xf32>,
      %get3A_70 = arith.constant 0 : index
      %get3A_71 = arith.constant 0 : index
      %get3A_72 = vector.load %arg11[%get3A_70, %get3A_71] : memref<1x128xi32, #tpu.memory_space<vmem>>, vector<1x128xi32>
      %swap3A_73 = arith.constant 0 : index
      %swap3A_74 = arith.constant 0 : index
      %swap3A_75 = vector.load %arg9[%swap3A_73, %swap3A_74] : memref<1x128xi32, #tpu.memory_space<vmem>>, vector<1x128xi32>
      tpu.vector_store %arg9[%swap3A_73, %swap3A_74], %get3A_72 {strides = array<i32>} : memref<1x128xi32, #tpu.memory_space<vmem>>, vector<1x128xi32>,
    } else {
    }
    return
  }
  func.func @transform_0(%arg0: i32) -> (i32, i32) {
    %c0_i32 = arith.constant 0 : i32
    %c0_i32_0 = arith.constant 0 : i32
    %c0_i32_1 = arith.constant 0 : i32
    return %c0_i32, %c0_i32_0 : i32, i32
  }
  func.func @transform_1(%arg0: i32) -> (i32, i32) {
    %c0_i32 = arith.constant 0 : i32
    %c0_i32_0 = arith.constant 0 : i32
    %c0_i32_1 = arith.constant 0 : i32
    return %c0_i32, %c0_i32_0 : i32, i32
  }
  func.func @transform_2(%arg0: i32) -> (i32, i32) {
    %c0_i32 = arith.constant 0 : i32
    %c0_i32_0 = arith.constant 0 : i32
    %c0_i32_1 = arith.constant 0 : i32
    return %c0_i32, %c0_i32_0 : i32, i32
  }
  func.func @transform_3(%arg0: i32) -> (i32, i32) {
    %c0_i32 = arith.constant 0 : i32
    %c0_i32_0 = arith.constant 0 : i32
    %c0_i32_1 = arith.constant 0 : i32
    return %c0_i32, %c0_i32_0 : i32, i32
  }
  func.func @transform_4(%arg0: i32) -> (i32, i32) {
    %c0_i32 = arith.constant 0 : i32
    %c0_i32_0 = arith.constant 0 : i32
    %c0_i32_1 = arith.constant 0 : i32
    return %c0_i32, %c0_i32_0 : i32, i32
  }
  func.func @transform_5(%arg0: i32) -> (i32, i32) {
    %c0_i32 = arith.constant 0 : i32
    %c0_i32_0 = arith.constant 0 : i32
    %c0_i32_1 = arith.constant 0 : i32
    return %c0_i32, %c0_i32_0 : i32, i32
  }
  func.func @transform_6(%arg0: i32) -> (i32, i32) {
    %c0_i32 = arith.constant 0 : i32
    %c0_i32_0 = arith.constant 0 : i32
    %c0_i32_1 = arith.constant 0 : i32
    return %c0_i32, %c0_i32_0 : i32, i32
  }
  func.func @transform_7(%arg0: i32) -> (i32, i32) {
    %c0_i32 = arith.constant 0 : i32
    %c0_i32_0 = arith.constant 0 : i32
    %c0_i32_1 = arith.constant 0 : i32
    return %c0_i32, %c0_i32_0 : i32, i32
  }
  func.func @transform_8(%arg0: i32) -> (i32, i32) {
    %c0_i32 = arith.constant 0 : i32
    %c0_i32_0 = arith.constant 0 : i32
    %c0_i32_1 = arith.constant 0 : i32
    return %c0_i32, %c0_i32_0 : i32, i32
  }
}

module attributes {stable_mosaic.version = 14 : i64} {
  func.func @_anchor_kernel(%arg0: i32, %arg1: memref<128x4xf32, #tpu.memory_space<smem>>, %arg2: memref<1x3xf32, #tpu.memory_space<smem>>, %arg3: memref<1x18xf32, #tpu.memory_space<smem>>, %arg4: memref<1x18xf32, #tpu.memory_space<smem>>, %arg5: memref<64x128xf32, #tpu.memory_space<vmem>>, %arg6: memref<64x128xf32, #tpu.memory_space<vmem>>, %arg7: memref<64x128xf32, #tpu.memory_space<vmem>>, %arg8: memref<64x128xf32, #tpu.memory_space<vmem>>, %arg9: memref<64x128xf32, #tpu.memory_space<vmem>>, %arg10: memref<64x128xf32, #tpu.memory_space<vmem>>, %arg11: memref<64x128xf32, #tpu.memory_space<vmem>>, %arg12: memref<64x128xf32, #tpu.memory_space<vmem>>, %arg13: memref<64x128xf32, #tpu.memory_space<vmem>>, %arg14: memref<64x128xf32, #tpu.memory_space<vmem>>, %arg15: memref<64x128xf32, #tpu.memory_space<vmem>>) attributes {dimension_semantics = [#tpu.dimension_semantics<arbitrary>], iteration_bounds = array<i64: 18>, scalar_prefetch = 0 : i64, scratch_operands = 0 : i64, tpu.core_type = #tpu.core_type<tc>, window_params = [{transform_indices = @transform_0, window_bounds = array<i64: 128, 4>}, {transform_indices = @transform_1, window_bounds = array<i64: 1, 3>}, {transform_indices = @transform_2, window_bounds = array<i64: 1, 18>}, {transform_indices = @transform_3, window_bounds = array<i64: 1, 18>}, {transform_indices = @transform_4, window_bounds = array<i64: 64, 128>}, {transform_indices = @transform_5, window_bounds = array<i64: 64, 128>}, {transform_indices = @transform_6, window_bounds = array<i64: 64, 128>}, {transform_indices = @transform_7, window_bounds = array<i64: 64, 128>}, {transform_indices = @transform_8, window_bounds = array<i64: 64, 128>}, {transform_indices = @transform_9, window_bounds = array<i64: 64, 128>}, {transform_indices = @transform_10, window_bounds = array<i64: 64, 128>}, {transform_indices = @transform_11, window_bounds = array<i64: 64, 128>}, {transform_indices = @transform_12, window_bounds = array<i64: 64, 128>}, {transform_indices = @transform_13, window_bounds = array<i64: 64, 128>}, {transform_indices = @transform_14, window_bounds = array<i64: 64, 128>}]} {
    %get3A = arith.constant 0 : index
    %get3A_0 = arith.index_cast %arg0 : i32 to index
    %get3A_1 = memref.load %arg3[%get3A, %get3A_0] : memref<1x18xf32, #tpu.memory_space<smem>>
    %get3A_2 = arith.constant 0 : index
    %get3A_3 = arith.index_cast %arg0 : i32 to index
    %get3A_4 = memref.load %arg4[%get3A_2, %get3A_3] : memref<1x18xf32, #tpu.memory_space<smem>>
    %get3A_5 = arith.constant 0 : index
    %get3A_6 = arith.constant 0 : index
    %get3A_7 = vector.load %arg5[%get3A_5, %get3A_6] : memref<64x128xf32, #tpu.memory_space<vmem>>, vector<64x128xf32>
    %get3A_8 = arith.constant 0 : index
    %get3A_9 = arith.constant 0 : index
    %get3A_10 = vector.load %arg6[%get3A_8, %get3A_9] : memref<64x128xf32, #tpu.memory_space<vmem>>, vector<64x128xf32>
    %get3A_11 = arith.constant 0 : index
    %get3A_12 = arith.constant 0 : index
    %get3A_13 = vector.load %arg7[%get3A_11, %get3A_12] : memref<64x128xf32, #tpu.memory_space<vmem>>, vector<64x128xf32>
    %get3A_14 = arith.constant 0 : index
    %get3A_15 = arith.constant 0 : index
    %get3A_16 = vector.load %arg8[%get3A_14, %get3A_15] : memref<64x128xf32, #tpu.memory_space<vmem>>, vector<64x128xf32>
    %sub3A = arith.subf %get3A_13, %get3A_7 : vector<64x128xf32>
    %add3A = arith.constant 1.000000e+00 : f32
    %add3A_17 = vector.broadcast %add3A : f32 to vector<64x128xf32>
    %add3A_18 = arith.addf %sub3A, %add3A_17 : vector<64x128xf32>
    %sub3A_19 = arith.subf %get3A_16, %get3A_10 : vector<64x128xf32>
    %add3A_20 = arith.constant 1.000000e+00 : f32
    %add3A_21 = vector.broadcast %add3A_20 : f32 to vector<64x128xf32>
    %add3A_22 = arith.addf %sub3A_19, %add3A_21 : vector<64x128xf32>
    %mul3A = arith.mulf %add3A_18, %add3A_22 : vector<64x128xf32>
    %broadcast_in_dim3A = arith.constant 0.000000e+00 : f32
    %broadcast_in_dim3A_23 = vector.broadcast %broadcast_in_dim3A : f32 to vector<64x128xf32>
    %get3A_24 = arith.constant 0 : index
    %get3A_25 = arith.constant 0 : index
    %get3A_26 = memref.load %arg1[%get3A_24, %get3A_25] : memref<128x4xf32, #tpu.memory_space<smem>>
    %broadcast_in_dim3A_27 = vector.broadcast %get3A_26 : f32 to vector<64x128xf32>
    %get3A_28 = arith.constant 0 : index
    %get3A_29 = arith.constant 1 : index
    %get3A_30 = memref.load %arg1[%get3A_28, %get3A_29] : memref<128x4xf32, #tpu.memory_space<smem>>
    %broadcast_in_dim3A_31 = vector.broadcast %get3A_30 : f32 to vector<64x128xf32>
    %get3A_32 = arith.constant 0 : index
    %get3A_33 = arith.constant 2 : index
    %get3A_34 = memref.load %arg1[%get3A_32, %get3A_33] : memref<128x4xf32, #tpu.memory_space<smem>>
    %broadcast_in_dim3A_35 = vector.broadcast %get3A_34 : f32 to vector<64x128xf32>
    %get3A_36 = arith.constant 0 : index
    %get3A_37 = arith.constant 3 : index
    %get3A_38 = memref.load %arg1[%get3A_36, %get3A_37] : memref<128x4xf32, #tpu.memory_space<smem>>
    %broadcast_in_dim3A_39 = vector.broadcast %get3A_38 : f32 to vector<64x128xf32>
    %scan3A = arith.constant 0 : i32
    %scan3A_40 = arith.constant 128 : i32
    %scan3A_41 = arith.addi %scan3A, %scan3A_40 : i32
    %scan3A_42 = arith.constant 1 : i32
    %scan3A_43:5 = scf.for %scan3A_136 = %scan3A to %scan3A_41 step %scan3A_42 iter_args(%scan3A_137 = %broadcast_in_dim3A_23, %scan3A_138 = %broadcast_in_dim3A_27, %scan3A_139 = %broadcast_in_dim3A_31, %scan3A_140 = %broadcast_in_dim3A_35, %scan3A_141 = %broadcast_in_dim3A_39) -> (vector<64x128xf32>, vector<64x128xf32>, vector<64x128xf32>, vector<64x128xf32>, vector<64x128xf32>)  : i32 {
      %get3A_142 = arith.index_cast %scan3A_136 : i32 to index
      %get3A_143 = arith.constant 0 : index
      %get3A_144 = memref.load %arg1[%get3A_142, %get3A_143] : memref<128x4xf32, #tpu.memory_space<smem>>
      %get3A_145 = arith.index_cast %scan3A_136 : i32 to index
      %get3A_146 = arith.constant 1 : index
      %get3A_147 = memref.load %arg1[%get3A_145, %get3A_146] : memref<128x4xf32, #tpu.memory_space<smem>>
      %get3A_148 = arith.index_cast %scan3A_136 : i32 to index
      %get3A_149 = arith.constant 2 : index
      %get3A_150 = memref.load %arg1[%get3A_148, %get3A_149] : memref<128x4xf32, #tpu.memory_space<smem>>
      %get3A_151 = arith.index_cast %scan3A_136 : i32 to index
      %get3A_152 = arith.constant 3 : index
      %get3A_153 = memref.load %arg1[%get3A_151, %get3A_152] : memref<128x4xf32, #tpu.memory_space<smem>>
      %add3A_154 = arith.constant 1.000000e+00 : f32
      %add3A_155 = arith.addf %get3A_153, %add3A_154 : f32
      %le3A = arith.cmpf ole, %add3A_155, %get3A_1 : f32
      %add3A_156 = arith.constant 1.000000e+00 : f32
      %add3A_157 = arith.addf %get3A_4, %add3A_156 : f32
      %ge3A_158 = arith.cmpf oge, %get3A_147, %add3A_157 : f32
      %or3A = arith.ori %le3A, %ge3A_158 : i1
      %convert_element_type3A = arith.extui %or3A : i1 to i32
      %cond3A = arith.constant 0 : i32
      %cond3A_159 = arith.cmpi ne, %convert_element_type3A, %cond3A : i32
      %cond3A_160:5 = scf.if %cond3A_159 -> (vector<64x128xf32>, vector<64x128xf32>, vector<64x128xf32>, vector<64x128xf32>, vector<64x128xf32>) {
        scf.yield %scan3A_137, %scan3A_138, %scan3A_139, %scan3A_140, %scan3A_141 : vector<64x128xf32>, vector<64x128xf32>, vector<64x128xf32>, vector<64x128xf32>, vector<64x128xf32>
      } else {
        %sub3A_161 = arith.subf %get3A_150, %get3A_144 : f32
        %add3A_162 = arith.constant 1.000000e+00 : f32
        %add3A_163 = arith.addf %sub3A_161, %add3A_162 : f32
        %sub3A_164 = arith.subf %get3A_153, %get3A_147 : f32
        %add3A_165 = arith.constant 1.000000e+00 : f32
        %add3A_166 = arith.addf %sub3A_164, %add3A_165 : f32
        %mul3A_167 = arith.mulf %add3A_163, %add3A_166 : f32
        %min3A = vector.broadcast %get3A_150 : f32 to vector<64x128xf32>
        %min3A_168 = arith.minimumf %get3A_13, %min3A : vector<64x128xf32>
        %max3A = vector.broadcast %get3A_144 : f32 to vector<64x128xf32>
        %max3A_169 = arith.maximumf %get3A_7, %max3A : vector<64x128xf32>
        %sub3A_170 = arith.subf %min3A_168, %max3A_169 : vector<64x128xf32>
        %add3A_171 = arith.constant 1.000000e+00 : f32
        %add3A_172 = vector.broadcast %add3A_171 : f32 to vector<64x128xf32>
        %add3A_173 = arith.addf %sub3A_170, %add3A_172 : vector<64x128xf32>
        %min3A_174 = vector.broadcast %get3A_153 : f32 to vector<64x128xf32>
        %min3A_175 = arith.minimumf %get3A_16, %min3A_174 : vector<64x128xf32>
        %max3A_176 = vector.broadcast %get3A_147 : f32 to vector<64x128xf32>
        %max3A_177 = arith.maximumf %get3A_10, %max3A_176 : vector<64x128xf32>
        %sub3A_178 = arith.subf %min3A_175, %max3A_177 : vector<64x128xf32>
        %add3A_179 = arith.constant 1.000000e+00 : f32
        %add3A_180 = vector.broadcast %add3A_179 : f32 to vector<64x128xf32>
        %add3A_181 = arith.addf %sub3A_178, %add3A_180 : vector<64x128xf32>
        %max3A_182 = arith.constant 0.000000e+00 : f32
        %max3A_183 = vector.broadcast %max3A_182 : f32 to vector<64x128xf32>
        %max3A_184 = arith.maximumf %add3A_173, %max3A_183 : vector<64x128xf32>
        %max3A_185 = arith.constant 0.000000e+00 : f32
        %max3A_186 = vector.broadcast %max3A_185 : f32 to vector<64x128xf32>
        %max3A_187 = arith.maximumf %add3A_181, %max3A_186 : vector<64x128xf32>
        %mul3A_188 = arith.mulf %max3A_184, %max3A_187 : vector<64x128xf32>
        %add3A_189 = vector.broadcast %mul3A_167 : f32 to vector<64x128xf32>
        %add3A_190 = arith.addf %mul3A, %add3A_189 : vector<64x128xf32>
        %sub3A_191 = arith.subf %add3A_190, %mul3A_188 : vector<64x128xf32>
        %max3A_192 = arith.constant 9.99999993E-9 : f32
        %max3A_193 = vector.broadcast %max3A_192 : f32 to vector<64x128xf32>
        %max3A_194 = arith.maximumf %sub3A_191, %max3A_193 : vector<64x128xf32>
        %div3A_195 = arith.divf %mul3A_188, %max3A_194 : vector<64x128xf32>
        %gt3A = arith.cmpf ogt, %div3A_195, %scan3A_137 : vector<64x128xf32>
        %select_n3A_196 = arith.select %gt3A, %div3A_195, %scan3A_137 : vector<64x128xi1>, vector<64x128xf32>
        %broadcast_in_dim3A_197 = vector.broadcast %get3A_144 : f32 to vector<64x128xf32>
        %select_n3A_198 = arith.select %gt3A, %broadcast_in_dim3A_197, %scan3A_138 : vector<64x128xi1>, vector<64x128xf32>
        %broadcast_in_dim3A_199 = vector.broadcast %get3A_147 : f32 to vector<64x128xf32>
        %select_n3A_200 = arith.select %gt3A, %broadcast_in_dim3A_199, %scan3A_139 : vector<64x128xi1>, vector<64x128xf32>
        %broadcast_in_dim3A_201 = vector.broadcast %get3A_150 : f32 to vector<64x128xf32>
        %select_n3A_202 = arith.select %gt3A, %broadcast_in_dim3A_201, %scan3A_140 : vector<64x128xi1>, vector<64x128xf32>
        %broadcast_in_dim3A_203 = vector.broadcast %get3A_153 : f32 to vector<64x128xf32>
        %select_n3A_204 = arith.select %gt3A, %broadcast_in_dim3A_203, %scan3A_141 : vector<64x128xi1>, vector<64x128xf32>
        scf.yield %select_n3A_196, %select_n3A_198, %select_n3A_200, %select_n3A_202, %select_n3A_204 : vector<64x128xf32>, vector<64x128xf32>, vector<64x128xf32>, vector<64x128xf32>, vector<64x128xf32>
      }
      scf.yield %cond3A_160#0, %cond3A_160#1, %cond3A_160#2, %cond3A_160#3, %cond3A_160#4 : vector<64x128xf32>, vector<64x128xf32>, vector<64x128xf32>, vector<64x128xf32>, vector<64x128xf32>
    }
    %scan3A_44 = arith.constant 128 : i32
    %swap3A = arith.constant 0 : index
    %swap3A_45 = arith.constant 0 : index
    %swap3A_46 = vector.load %arg9[%swap3A, %swap3A_45] : memref<64x128xf32, #tpu.memory_space<vmem>>, vector<64x128xf32>
    tpu.vector_store %arg9[%swap3A, %swap3A_45], %scan3A_43#0 {strides = array<i32>} : memref<64x128xf32, #tpu.memory_space<vmem>>, vector<64x128xf32>,
    %broadcast_in_dim3A_47 = arith.constant -1.000000e+00 : f32
    %broadcast_in_dim3A_48 = vector.broadcast %broadcast_in_dim3A_47 : f32 to vector<64x128xf32>
    %lt3A = arith.constant 3.000000e-01 : f32
    %lt3A_49 = vector.broadcast %lt3A : f32 to vector<64x128xf32>
    %lt3A_50 = arith.cmpf olt, %scan3A_43#0, %lt3A_49 : vector<64x128xf32>
    %jit3A = arith.constant 0.000000e+00 : f32
    %broadcast_in_dim3A_51 = vector.broadcast %jit3A : f32 to vector<64x128xf32>
    %select_n3A = arith.select %lt3A_50, %broadcast_in_dim3A_51, %broadcast_in_dim3A_48 : vector<64x128xi1>, vector<64x128xf32>
    %ge3A = arith.constant 0.699999988 : f32
    %ge3A_52 = vector.broadcast %ge3A : f32 to vector<64x128xf32>
    %ge3A_53 = arith.cmpf oge, %scan3A_43#0, %ge3A_52 : vector<64x128xf32>
    %jit3A_54 = arith.constant 1.000000e+00 : f32
    %broadcast_in_dim3A_55 = vector.broadcast %jit3A_54 : f32 to vector<64x128xf32>
    %select_n3A_56 = arith.select %ge3A_53, %broadcast_in_dim3A_55, %select_n3A : vector<64x128xi1>, vector<64x128xf32>
    %swap3A_57 = arith.constant 0 : index
    %swap3A_58 = arith.constant 0 : index
    %swap3A_59 = vector.load %arg10[%swap3A_57, %swap3A_58] : memref<64x128xf32, #tpu.memory_space<vmem>>, vector<64x128xf32>
    tpu.vector_store %arg10[%swap3A_57, %swap3A_58], %select_n3A_56 {strides = array<i32>} : memref<64x128xf32, #tpu.memory_space<vmem>>, vector<64x128xf32>,
    %ge3A_60 = arith.constant 0.000000e+00 : f32
    %ge3A_61 = vector.broadcast %ge3A_60 : f32 to vector<64x128xf32>
    %ge3A_62 = arith.cmpf oge, %get3A_7, %ge3A_61 : vector<64x128xf32>
    %ge3A_63 = arith.constant 0.000000e+00 : f32
    %ge3A_64 = vector.broadcast %ge3A_63 : f32 to vector<64x128xf32>
    %ge3A_65 = arith.cmpf oge, %get3A_10, %ge3A_64 : vector<64x128xf32>
    %and3A = arith.andi %ge3A_62, %ge3A_65 : vector<64x128xi1>
    %get3A_66 = arith.constant 0 : index
    %get3A_67 = arith.constant 1 : index
    %get3A_68 = memref.load %arg2[%get3A_66, %get3A_67] : memref<1x3xf32, #tpu.memory_space<smem>>
    %lt3A_69 = vector.broadcast %get3A_68 : f32 to vector<64x128xf32>
    %lt3A_70 = arith.cmpf olt, %get3A_13, %lt3A_69 : vector<64x128xf32>
    %and3A_71 = arith.andi %and3A, %lt3A_70 : vector<64x128xi1>
    %get3A_72 = arith.constant 0 : index
    %get3A_73 = arith.constant 0 : index
    %get3A_74 = memref.load %arg2[%get3A_72, %get3A_73] : memref<1x3xf32, #tpu.memory_space<smem>>
    %lt3A_75 = vector.broadcast %get3A_74 : f32 to vector<64x128xf32>
    %lt3A_76 = arith.cmpf olt, %get3A_16, %lt3A_75 : vector<64x128xf32>
    %and3A_77 = arith.andi %and3A_71, %lt3A_76 : vector<64x128xi1>
    %jit3A_78 = arith.constant 1.000000e+00 : f32
    %jit3A_79 = arith.constant 0.000000e+00 : f32
    %broadcast_in_dim3A_80 = vector.broadcast %jit3A_78 : f32 to vector<64x128xf32>
    %broadcast_in_dim3A_81 = vector.broadcast %jit3A_79 : f32 to vector<64x128xf32>
    %select_n3A_82 = arith.select %and3A_77, %broadcast_in_dim3A_80, %broadcast_in_dim3A_81 : vector<64x128xi1>, vector<64x128xf32>
    %swap3A_83 = arith.constant 0 : index
    %swap3A_84 = arith.constant 0 : index
    %swap3A_85 = vector.load %arg11[%swap3A_83, %swap3A_84] : memref<64x128xf32, #tpu.memory_space<vmem>>, vector<64x128xf32>
    tpu.vector_store %arg11[%swap3A_83, %swap3A_84], %select_n3A_82 {strides = array<i32>} : memref<64x128xf32, #tpu.memory_space<vmem>>, vector<64x128xf32>,
    %sub3A_86 = arith.subf %get3A_13, %get3A_7 : vector<64x128xf32>
    %add3A_87 = arith.constant 1.000000e+00 : f32
    %add3A_88 = vector.broadcast %add3A_87 : f32 to vector<64x128xf32>
    %add3A_89 = arith.addf %sub3A_86, %add3A_88 : vector<64x128xf32>
    %sub3A_90 = arith.subf %get3A_16, %get3A_10 : vector<64x128xf32>
    %add3A_91 = arith.constant 1.000000e+00 : f32
    %add3A_92 = vector.broadcast %add3A_91 : f32 to vector<64x128xf32>
    %add3A_93 = arith.addf %sub3A_90, %add3A_92 : vector<64x128xf32>
    %mul3A_94 = arith.constant 5.000000e-01 : f32
    %mul3A_95 = vector.broadcast %mul3A_94 : f32 to vector<64x128xf32>
    %mul3A_96 = arith.mulf %mul3A_95, %add3A_89 : vector<64x128xf32>
    %add3A_97 = arith.addf %get3A_7, %mul3A_96 : vector<64x128xf32>
    %mul3A_98 = arith.constant 5.000000e-01 : f32
    %mul3A_99 = vector.broadcast %mul3A_98 : f32 to vector<64x128xf32>
    %mul3A_100 = arith.mulf %mul3A_99, %add3A_93 : vector<64x128xf32>
    %add3A_101 = arith.addf %get3A_10, %mul3A_100 : vector<64x128xf32>
    %sub3A_102 = arith.subf %scan3A_43#3, %scan3A_43#1 : vector<64x128xf32>
    %add3A_103 = arith.constant 1.000000e+00 : f32
    %add3A_104 = vector.broadcast %add3A_103 : f32 to vector<64x128xf32>
    %add3A_105 = arith.addf %sub3A_102, %add3A_104 : vector<64x128xf32>
    %sub3A_106 = arith.subf %scan3A_43#4, %scan3A_43#2 : vector<64x128xf32>
    %add3A_107 = arith.constant 1.000000e+00 : f32
    %add3A_108 = vector.broadcast %add3A_107 : f32 to vector<64x128xf32>
    %add3A_109 = arith.addf %sub3A_106, %add3A_108 : vector<64x128xf32>
    %mul3A_110 = arith.constant 5.000000e-01 : f32
    %mul3A_111 = vector.broadcast %mul3A_110 : f32 to vector<64x128xf32>
    %mul3A_112 = arith.mulf %mul3A_111, %add3A_105 : vector<64x128xf32>
    %add3A_113 = arith.addf %scan3A_43#1, %mul3A_112 : vector<64x128xf32>
    %mul3A_114 = arith.constant 5.000000e-01 : f32
    %mul3A_115 = vector.broadcast %mul3A_114 : f32 to vector<64x128xf32>
    %mul3A_116 = arith.mulf %mul3A_115, %add3A_109 : vector<64x128xf32>
    %add3A_117 = arith.addf %scan3A_43#2, %mul3A_116 : vector<64x128xf32>
    %sub3A_118 = arith.subf %add3A_113, %add3A_97 : vector<64x128xf32>
    %div3A = arith.divf %sub3A_118, %add3A_89 : vector<64x128xf32>
    %swap3A_119 = arith.constant 0 : index
    %swap3A_120 = arith.constant 0 : index
    %swap3A_121 = vector.load %arg12[%swap3A_119, %swap3A_120] : memref<64x128xf32, #tpu.memory_space<vmem>>, vector<64x128xf32>
    tpu.vector_store %arg12[%swap3A_119, %swap3A_120], %div3A {strides = array<i32>} : memref<64x128xf32, #tpu.memory_space<vmem>>, vector<64x128xf32>,
    %sub3A_122 = arith.subf %add3A_117, %add3A_101 : vector<64x128xf32>
    %div3A_123 = arith.divf %sub3A_122, %add3A_93 : vector<64x128xf32>
    %swap3A_124 = arith.constant 0 : index
    %swap3A_125 = arith.constant 0 : index
    %swap3A_126 = vector.load %arg13[%swap3A_124, %swap3A_125] : memref<64x128xf32, #tpu.memory_space<vmem>>, vector<64x128xf32>
    tpu.vector_store %arg13[%swap3A_124, %swap3A_125], %div3A_123 {strides = array<i32>} : memref<64x128xf32, #tpu.memory_space<vmem>>, vector<64x128xf32>,
    %div3A_127 = arith.divf %add3A_105, %add3A_89 : vector<64x128xf32>
    %log3A = math.log %div3A_127 : vector<64x128xf32>
    %swap3A_128 = arith.constant 0 : index
    %swap3A_129 = arith.constant 0 : index
    %swap3A_130 = vector.load %arg14[%swap3A_128, %swap3A_129] : memref<64x128xf32, #tpu.memory_space<vmem>>, vector<64x128xf32>
    tpu.vector_store %arg14[%swap3A_128, %swap3A_129], %log3A {strides = array<i32>} : memref<64x128xf32, #tpu.memory_space<vmem>>, vector<64x128xf32>,
    %div3A_131 = arith.divf %add3A_109, %add3A_93 : vector<64x128xf32>
    %log3A_132 = math.log %div3A_131 : vector<64x128xf32>
    %swap3A_133 = arith.constant 0 : index
    %swap3A_134 = arith.constant 0 : index
    %swap3A_135 = vector.load %arg15[%swap3A_133, %swap3A_134] : memref<64x128xf32, #tpu.memory_space<vmem>>, vector<64x128xf32>
    tpu.vector_store %arg15[%swap3A_133, %swap3A_134], %log3A_132 {strides = array<i32>} : memref<64x128xf32, #tpu.memory_space<vmem>>, vector<64x128xf32>,
    return
  }
  func.func @transform_0(%arg0: i32) -> (i32, i32) {
    %c0_i32 = arith.constant 0 : i32
    %c0_i32_0 = arith.constant 0 : i32
    %c0_i32_1 = arith.constant 0 : i32
    return %c0_i32, %c0_i32_0 : i32, i32
  }
  func.func @transform_1(%arg0: i32) -> (i32, i32) {
    %c0_i32 = arith.constant 0 : i32
    %c0_i32_0 = arith.constant 0 : i32
    %c0_i32_1 = arith.constant 0 : i32
    return %c0_i32, %c0_i32_0 : i32, i32
  }
  func.func @transform_2(%arg0: i32) -> (i32, i32) {
    %c0_i32 = arith.constant 0 : i32
    %c0_i32_0 = arith.constant 0 : i32
    %c0_i32_1 = arith.constant 0 : i32
    return %c0_i32, %c0_i32_0 : i32, i32
  }
  func.func @transform_3(%arg0: i32) -> (i32, i32) {
    %c0_i32 = arith.constant 0 : i32
    %c0_i32_0 = arith.constant 0 : i32
    %c0_i32_1 = arith.constant 0 : i32
    return %c0_i32, %c0_i32_0 : i32, i32
  }
  func.func @transform_4(%arg0: i32) -> (i32, i32) {
    %c0_i32 = arith.constant 0 : i32
    %c0_i32_0 = arith.constant 0 : i32
    return %arg0, %c0_i32 : i32, i32
  }
  func.func @transform_5(%arg0: i32) -> (i32, i32) {
    %c0_i32 = arith.constant 0 : i32
    %c0_i32_0 = arith.constant 0 : i32
    return %arg0, %c0_i32 : i32, i32
  }
  func.func @transform_6(%arg0: i32) -> (i32, i32) {
    %c0_i32 = arith.constant 0 : i32
    %c0_i32_0 = arith.constant 0 : i32
    return %arg0, %c0_i32 : i32, i32
  }
  func.func @transform_7(%arg0: i32) -> (i32, i32) {
    %c0_i32 = arith.constant 0 : i32
    %c0_i32_0 = arith.constant 0 : i32
    return %arg0, %c0_i32 : i32, i32
  }
  func.func @transform_8(%arg0: i32) -> (i32, i32) {
    %c0_i32 = arith.constant 0 : i32
    %c0_i32_0 = arith.constant 0 : i32
    return %arg0, %c0_i32 : i32, i32
  }
  func.func @transform_9(%arg0: i32) -> (i32, i32) {
    %c0_i32 = arith.constant 0 : i32
    %c0_i32_0 = arith.constant 0 : i32
    return %arg0, %c0_i32 : i32, i32
  }
  func.func @transform_10(%arg0: i32) -> (i32, i32) {
    %c0_i32 = arith.constant 0 : i32
    %c0_i32_0 = arith.constant 0 : i32
    return %arg0, %c0_i32 : i32, i32
  }
  func.func @transform_11(%arg0: i32) -> (i32, i32) {
    %c0_i32 = arith.constant 0 : i32
    %c0_i32_0 = arith.constant 0 : i32
    return %arg0, %c0_i32 : i32, i32
  }
  func.func @transform_12(%arg0: i32) -> (i32, i32) {
    %c0_i32 = arith.constant 0 : i32
    %c0_i32_0 = arith.constant 0 : i32
    return %arg0, %c0_i32 : i32, i32
  }
  func.func @transform_13(%arg0: i32) -> (i32, i32) {
    %c0_i32 = arith.constant 0 : i32
    %c0_i32_0 = arith.constant 0 : i32
    return %arg0, %c0_i32 : i32, i32
  }
  func.func @transform_14(%arg0: i32) -> (i32, i32) {
    %c0_i32 = arith.constant 0 : i32
    %c0_i32_0 = arith.constant 0 : i32
    return %arg0, %c0_i32 : i32, i32
  }
}

</mosaic_0001>

<sc_bundles>
// kernel: branch_1_fun.3.cloned.1.call-start
scs
__scs_entry_jumppad:
0x0: {  	(pc) =	sbr.rel $0x88, $3  }
0x1: {  	(tag) =	ssettag $0x0;
	lr =	simm.s32 $0x1  }
0x2: {  	[smem:$0x3F9F] =	sst lr;
	_ =	strace $0xD0000000  }
0x3: {  	_ = 	snop  }
0x4: {  	_ = 	snop  }
0x5: {  	_ = 	snop  }
0x6: {  	_ = 	snop  }
0x7: {  	_ = 	snop  }
__scs_overlays_trampoline_lowered:
0x8: {  	[smem:$0x3FAE] =	sst s0  }
0x9: {  	[smem:$0x3FAF] =	sst s1  }
0xa: {  	[smem:$0x3FB0] =	sst s2  }
0xb: {  	[smem:$0x3FB1] =	sst s3  }
0xc: {  	[smem:$0x3FB2] =	sst s4  }
0xd: {  	[smem:$0x3FB3] =	sst s5  }
0xe: {  	[smem:$0x3FB4] =	sst s6  }
0xf: {  	[smem:$0x3FB5] =	sst s7  }
0x10: {  	[smem:$0x3FB6] =	sst s8  }
0x11: {  	[smem:$0x3FB7] =	sst s9;
	s0 =	simm.s32 @!p0 $0x0  }
0x12: {  	s1 =	sld [smem:$0x3F9D];
	s0 =	simm.s32 @p0 $0x1  }
0x13: {  	[smem:$0x3FB8] =	sst s0;
	s0 =	simm.s32 @!p1 $0x0  }
0x14: {  	s2 =	sld [smem:$0x3F9C];
	s0 =	simm.s32 @p1 $0x1  }
0x15: {  	[smem:$0x3FB9] =	sst s0;
	s0 =	simm.s32 @!p2 $0x0  }
0x16: {  	s3 =	sld [smem:$0x3FDB];
	s0 =	simm.s32 @p2 $0x1  }
0x17: {  	s4 =	simm.s32 $0x1BF5;
	[smem:$0x3FBB] =	sst s0  }
0x18: {  	s0 =	sld [smem:$0x3F9E];
	_ =	swait.ge [sflag:s4], $0x0  }
0x19: {  	s7 =	sld [smem:$0x3F9F]  }
0x1a: {  	s8 =	sadd.s32 $0xFFFFE003, lr  }
0x1b: {  	s9 =	sadd.s32 $0xFFFFFEF7, lr;
	s5 =	simm.s32 $0xFFFFFFFF;
	p2 =	slt.u32 s8, $0xFFFFF086  }
0x1c: {  	p1 =	slt.u32 s9, $0xF7A;
	s5 =	simm.s32 @!p2 $0x0  }
0x1d: {  	s5 =	simm.s32 @p1 $0x1;
	p0 =	seq.s32 s7, s2  }
0x1e: {  	s7 =	smul.u32 @!p0 $0xF7A, s2;
	p2 =	seq.s32 @!p0 s5, $0x0  }
0x1f: {  	s9 =	smul.u32 $0xF7A, s1;
	s8 =	simm.s32 @!p0 $0x1BF5;
	p2 =	por !p2, p0  }
0x20: {  	[sflag:s8] =	ssyncset.s32 @!p0 $0xFFFFF086;
	s6 =	sadd.s32 @!p0 s3, s7;
	s7 =	simm.s32 @!p0 $0x108  }
0x21: {  	s3 =	sadd.s32 s3, s9;
	s6 =	sadd.s32 @!p0 $0x88, s6;
	s7 =	simm.s32 @p2 $0x1082  }
0x22: {  	[simem:s7], [sflag:s8] =	dma.local @!p0 [hbm:s6], $0xF7A  }
0x23: {  	s9 =	sor.u32 $0xD0000000, s2;
	s6 =	simm.s32 $0x108;
	_ =	swait.ge @!p0 [sflag:s8], $0x0  }
0x24: {  	s3 =	sadd.s32 $0x88, s3;
	s6 =	simm.s32 @!p1 $0x1082;
	[sflag:s4] =	ssyncset.s32 $0xFFFFF086  }
0x25: {  	[simem:s6], [sflag:s4] =	dma.local [hbm:s3], $0xF7A  }
0x26: {  	[smem:$0x3F9F] =	sst s1;
	(tag) =	ssettag s2;
	_ =	strace s9  }
0x27: {  	s1 =	sld [smem:$0x3FAF]  }
0x28: {  	s2 =	sld [smem:$0x3FB0]  }
0x29: {  	s4 =	sld [smem:$0x3FB2]  }
0x2a: {  	p0 =	seq.s32 s5, $0x0;
	s5 =	sld [smem:$0x3FB3]  }
0x2b: {  	s6 =	sld [smem:$0x3FB4]  }
0x2c: {  	s7 =	sld [smem:$0x3FB5]  }
0x2d: {  	s3 =	simm.s32 $0x108;
	s8 =	sld [smem:$0x3FB6]  }
0x2e: {  	s3 =	simm.s32 @!p0 $0x1082;
	s9 =	sld [smem:$0x3FB7]  }
0x2f: {  	lr =	sadd.s32 s0, s3;
	s0 =	sld [smem:$0x3FAE]  }
0x30: {  	s3 =	sld [smem:$0x3FB1]  }
0x31: {  	[smem:$0x3FBA] =	sst s10  }
0x32: {  	s10 =	sld [smem:$0x3FB8];
	_ =	sdelay $0x3  }
0x33: {  	p0 =	seq.s32 s10, $0x1;
	s10 =	sld [smem:$0x3FBA];
	_ =	sdelay $0x3  }
0x34: {  	[smem:$0x3FBA] =	sst s10  }
0x35: {  	s10 =	sld [smem:$0x3FB9];
	_ =	sdelay $0x3  }
0x36: {  	p1 =	seq.s32 s10, $0x1;
	s10 =	sld [smem:$0x3FBA];
	_ =	sdelay $0x3  }
0x37: {  	[smem:$0x3FBA] =	sst s10  }
0x38: {  	s10 =	sld [smem:$0x3FBB]  }
0x39: {  	_ = 	snop;
	(pc) =	sbr.ind lr, $3  }
0x3a: {  	_ = 	snop  }
0x3b: {  	_ = 	snop  }
0x3c: {  	p2 =	seq.s32 s10, $0x1;
	s10 =	sld [smem:$0x3FBA]  }
0x3d: {  	_ =	shalt  }
0x3e: {  	_ =	shalt  }
0x3f: {  	_ =	shalt  }
0x40: {  	_ =	shalt  }
0x41: {  	_ =	shalt  }
0x42: {  	_ =	shalt  }
0x43: {  	_ =	shalt  }
0x44: {  	_ =	shalt  }
0x45: {  	_ =	shalt  }
0x46: {  	_ =	shalt  }
0x47: {  	_ =	shalt  }
0x48: {  	_ =	shalt  }
0x49: {  	_ =	shalt  }
0x4a: {  	_ =	shalt  }
0x4b: {  	_ =	shalt  }
0x4c: {  	_ =	shalt  }
0x4d: {  	_ =	shalt  }
0x4e: {  	_ =	shalt  }
0x4f: {  	_ =	shalt  }
0x50: {  	_ =	shalt  }
0x51: {  	_ =	shalt  }
0x52: {  	_ =	shalt  }
0x53: {  	_ =	shalt  }
0x54: {  	_ =	shalt  }
0x55: {  	_ =	shalt  }
0x56: {  	_ =	shalt  }
0x57: {  	_ =	shalt  }
0x58: {  	_ =	shalt  }
0x59: {  	_ =	shalt  }
0x5a: {  	_ =	shalt  }
0x5b: {  	_ =	shalt  }
0x5c: {  	_ =	shalt  }
0x5d: {  	_ =	shalt  }
0x5e: {  	_ =	shalt  }
0x5f: {  	_ =	shalt  }
0x60: {  	_ =	shalt  }
0x61: {  	_ =	shalt  }
0x62: {  	_ =	shalt  }
0x63: {  	_ =	shalt  }
0x64: {  	_ =	shalt  }
0x65: {  	_ =	shalt  }
0x66: {  	_ =	shalt  }
0x67: {  	_ =	shalt  }
0x68: {  	_ =	shalt  }
0x69: {  	_ =	shalt  }
0x6a: {  	_ =	shalt  }
0x6b: {  	_ =	shalt  }
0x6c: {  	_ =	shalt  }
0x6d: {  	_ =	shalt  }
0x6e: {  	_ =	shalt  }
0x6f: {  	_ =	shalt  }
0x70: {  	_ =	shalt  }
0x71: {  	_ =	shalt  }
0x72: {  	_ =	shalt  }
0x73: {  	_ =	shalt  }
0x74: {  	_ =	shalt  }
0x75: {  	_ =	shalt  }
0x76: {  	_ =	shalt  }
0x77: {  	_ =	shalt  }
0x78: {  	_ =	shalt  }
0x79: {  	_ =	shalt  }
0x7a: {  	_ =	shalt  }
0x7b: {  	_ =	shalt  }
0x7c: {  	_ =	shalt  }
0x7d: {  	_ =	shalt  }
0x7e: {  	_ =	shalt  }
0x7f: {  	_ =	shalt  }
0x80: {  	_ =	shalt  }
0x81: {  	_ =	shalt  }
0x82: {  	_ =	shalt  }
0x83: {  	_ =	shalt  }
0x84: {  	_ =	shalt  }
0x85: {  	_ =	shalt  }
0x86: {  	_ =	shalt  }
0x87: {  	_ =	shalt  }
.Lfunc_end0:
.L_simem_size_0:
called_computation_lowered:
.L_overlay_start_0:
0x88: {  	s2 =	sld [smem:$0x3FD9]  }
0x89: {  	s3 =	sld [smem:$0x3FFE];
	_ =	sdelay $0x1  }
0x8a: {  	s1 =	srdreg.scid  }
0x8b: {  	s0 =	sand.u32 $0x1, s1  }
0x8c: {  	s14 =	sshll.u32 s0, $0xA;
	s2 =	sadd.s32 s3, s2  }
0x8d: {  	s2 =	sadd.s32 s2, s14  }
0x8e: {  	[smem:$0x3FC6] =	sst s2  }
0x8f: {  	_ = 	snop  }
0x90: {  	s2 =	sld [smem:$0x3FD0];
	_ =	sdelay $0x2  }
0x91: {  	s15 =	simm.s32 $0xA;
	s4 =	simm.s32 $0x10  }
0x92: {  	[smem:s4], [sflag:s15] =	dma.local [hbm:s2], $0x1  }
0x93: {  	_ =	swait.eq [sflag:s15], $0x1  }
0x94: {  	[sflag:s15] =	ssyncset.done $0x0  }
0x95: {  	[sflag:s15] =	ssyncadd.s32 $0xFFFFFFFF  }
0x96: {  	s16 =	sld [smem:$0x10];
	(tm) =	ssettm $0x1  }
0x97: {  	s17 =	sld [smem:$0x3FFB];
	_ =	sdelay $0x3  }
0x98: {  	_ =	strace s17  }
0x99: {  	s3 =	sld [smem:$0x3FFC];
	_ =	sdelay $0x3  }
0x9a: {  	_ =	strace s3  }
0x9b: {  	s3 =	sld [smem:$0x3FFD];
	_ =	sdelay $0x3  }
0x9c: {  	_ =	strace s3  }
0x9d: {  	_ =	strace $0x8FFFFFFF  }
0x9e: {  	s18 =	sld [smem:$0x3FDB];
	_ =	sdelay $0x1  }
0x9f: {  	s19 =	simm.s32 $_scs_section_size  }
0xa0: {  	s5 =	simm.s32 $_size__tile_overlayer_lowered;
	s6 =	simm.s32 $_tile_overlayer_lowered  }
0xa1: {  	s22 =	simm.s32 $0x1BFF;
	s21 =	sshll.u32 s6, $0x1;
	s3 =	sadd.s32 s19, s18  }
0xa2: {  	s7 =	simm.s32 $0x0;
	s20 =	sshll.u32 s5, $0x1;
	s5 =	sadd.s32 s21, s3  }
0xa3: {  	[timem:s7], [sflag:s22] =	dma.local [hbm:s5], s20  }
0xa4: {  	_ =	swait.ge [sflag:s22], s20  }
0xa5: {  	s4 =	ssub.s32 $0x0, s20;
	[sflag:s22] =	ssyncset.done $0x0  }
0xa6: {  	[sflag:s22] =	ssyncadd.s32 s4;
	_ =	sdelay $0x1  }
0xa7: {  	s23 =	simm.s32 $0x1B8B  }
0xa8: {  	_ =	swait.ge [sflag:s23], $0x1  }
0xa9: {  	[sflag:s23] =	ssyncset.done $0x0  }
0xaa: {  	s25 =	simm.s32 $0x1B8E;
	s24 =	sld [smem:$0x3FFE];
	[sflag:s23] =	ssyncadd.s32 $0xFFFFFFFF  }
0xab: {  	s26 =	simm.s32 $execute0_lowered;
	[smem:$0x3FD2] =	sst s25  }
0xac: {  	s5 =	sshll.u32 s26, $0x1;
	_ =	strace $0x80000046;
	[dreg:$0x1] =	wrdreg $0xFFFFFFFF  }
0xad: {  	s28 =	simm.s32 $_size_execute0_lowered;
	s3 =	sadd.s32 s3, s5;
	[dreg:$0x0] =	wrdreg $0x0  }
0xae: {  	s5 =	sshll.u32 s28, $0x1;
	[dreg:$0x2] =	wrdreg s3  }
0xaf: {  	[dreg:$0x3] =	wrdreg s5  }
0xb0: {  	[dreg:$0x4] =	wrdreg $0xC0  }
0xb1: {  	_ =	task [dreg:s7], $0x5FFFF  }
0xb2: {  	[dreg:$0x1] =	wrdreg $0xFFFFFFFF  }
0xb3: {  	[dreg:$0x0] =	wrdreg $0x60  }
0xb4: {  	[dreg:$0x2] =	wrdreg s24  }
0xb5: {  	[dreg:$0x3] =	wrdreg s16  }
0xb6: {  	[dreg:$0x4] =	wrdreg $0x9  }
0xb7: {  	_ =	task.clear_ibuf [dreg:s7], $0x5FFFF;
	_ =	strace $0x90000046  }
0xb8: {  	s29 =	simm.s32 $0x9;
	_ =	strace $0x80000048  }
0xb9: {  	_ =	swait.ge [sflag:s29], $0x1  }
0xba: {  	[sflag:s29] =	ssyncadd.s32 $0xFFFFFFFF  }
0xbb: {  	_ =	strace $0x90000048  }
0xbc: {  	_ =	sfence  }
0xbd: {  	s30 =	sld [smem:$0x0];
	_ =	sdelay $0x2  }
0xbe: {  	s31 =	sshll.u32 s1, $0xD;
	s1 =	sshrl.u32 s1, $0x2  }
0xbf: {  	s3 =	sand.u32 $0x4000, s31;
	s1 =	sadd.s32 s1, s30  }
0xc0: {  	s0 =	sor.u32 s3, s0;
	s1 =	sshll.u32 s1, $0x11  }
0xc1: {  	s0 =	sor.u32 s1, s0  }
0xc2: {  	s0 =	sadd.s32 $0x8F2B, s0  }
0xc3: {  	[sflag:s0] =	ssyncadd.remote.s32 $0x1  }
0xc4: {  	_ =	sfence.sel $0xFFFF  }
0xc5: {  	[dreg:$0x0] =	wrdreg $0xFFFFFFFF;
	(pc) =	sbr.abs _section_cstart, $3  }
0xc6: {  	[dreg:$0x1] =	wrdreg $0xFFFFFFFF  }
0xc7: {  	_ =	task.clear_ibuf [dreg:s7], $0x2FFFF;
	_ =	strace $0x9FFFFFFF  }
0xc8: {  	(tm) =	ssettm $0x7FFFFFFF  }
0xc9: {  	_ =	shalt  }
tec
execute0_lowered:
.L_overlay_start_1:
0x0: {  	(tag) =	ssettag $0x1  }
0x1: {  	s1 =	srdreg.scid;
	s0 =	stileid.u32  }
0x2: {  	s8 =	sand.u32 $0x1, s1;
	s30 =	sshll.u32 s0, $0x1  }
0x3: {  	s3 =	sor.u32 s8, s30  }
0x4: {  	s7 =	rddreg [dreg:$0x0];
	s10 =	smul.u32 $0x240, s3  }
0x5: {  	s9 =	rddreg [dreg:$0x1];
	s2 =	simm.s32 $0x0;
	s5 =	simm.s32 $0x1200  }
0x6: {  	s4 =	simm.s32 $0x1;
	[smem:$0x7FF] =	sst s2;
	s3 =	sadd.s32 s10, s7  }
0x7: {  	s1 =	rddreg [dreg:$0x2];
	_ =	strace $0x80000047;
	s3 =	sadd.s32 $0x20400, s3  }
0x8: {  	[tilespmem:s5], [sflag:$0x1] =	stream.linear.gather [hbm4b:s3+s2], $0x1200, $0x38;
	[tilespmem:$0x2400] =	vst v63  }
0x9: {  	_ =	swait.ge [sflag:s4], $0x1200  }
0xa: {  	[sflag:s4] =	ssyncset.done $0x0  }
0xb: {  	s6 =	sadd.s32 $0x200, s7;
	s8 =	ssub.s32 $0x2, s8;
	[sflag:s4] =	ssyncadd.s32 $0xFFFFEE00  }
0xc: {  	[tilespmem:s2], [sflag:$0x1] =	stream.indirect.gather [hbm4b:s6+s5], $0x1, s5, s5, $0xb8;
	[tilespmem:$0x2400] =	vst v63  }
0xd: {  	s11 =	sshrl.u32 s8, $0x1;
	_ =	swait.ge [sflag:s4], $0x1200  }
0xe: {  	s11 =	ssub.s32 s8, s11;
	[sflag:s4] =	ssyncset.done $0x0  }
0xf: {  	s7 =	sadd.s32 $0x4E00, s7;
	s31 =	smax.u32 s11, $0x1;
	[sflag:s4] =	ssyncadd.s32 $0xFFFFEE00  }
0x10: {  	[tilespmem:s5], [sflag:$0x1] =	stream.indirect.gather [hbm4b:s7+s5], $0x1, s2, s5, $0xb8;
	[tilespmem:$0x2400] =	vst v63  }
0x11: {  	p0 =	sne.s32 s31, $0x1;
	_ =	swait.ge [sflag:s4], $0x1200  }
.Ltmp0:
0x12: {  	[sflag:s4] =	ssyncset.done $0x0;
	(pc) =	sbr.rel @!p0 .LBB2_2-.Ltmp0, $4  }
0x13: {  	s8 =	sadd.s32 s9, s10;
	[sflag:s4] =	ssyncadd.s32 $0xFFFFEE00  }
0x14: {  	[hbm4b:s8+s2] =	stream.linear.scatter [tilespmem:s5], [sflag:$0x1], $0x1200, $0x38;
	[tilespmem:$0x2400] =	vst v63  }
0x15: {  	_ =	swait.ge [sflag:s4], $0x1200  }
0x16: {  	s9 =	sadd.s32 $0xFFFFFFFF, s31;
	[sflag:s4] =	ssyncset.done $0x0  }
.LBB2_1:
0x17: {  	p0 =	sne.s32 s9, $0x1;
	s9 =	sadd.s32 $0xFFFFFFFF, s9;
	[sflag:s4] =	ssyncadd.s32 $0xFFFFEE00  }
0x18: {  	[tilespmem:s5], [sflag:$0x1] =	stream.linear.gather [hbm4b:s3+s2], $0x1200, $0x38;
	[tilespmem:$0x2400] =	vst v63  }
0x19: {  	_ =	swait.ge [sflag:s4], $0x1200  }
0x1a: {  	[sflag:s4] =	ssyncset.done $0x0  }
0x1b: {  	[sflag:s4] =	ssyncadd.s32 $0xFFFFEE00  }
0x1c: {  	[tilespmem:s2], [sflag:$0x1] =	stream.indirect.gather [hbm4b:s6+s5], $0x1, s5, s5, $0xb8;
	[tilespmem:$0x2400] =	vst v63  }
0x1d: {  	_ =	swait.ge [sflag:s4], $0x1200  }
0x1e: {  	[sflag:s4] =	ssyncset.done $0x0  }
0x1f: {  	[sflag:s4] =	ssyncadd.s32 $0xFFFFEE00  }
0x20: {  	[tilespmem:s5], [sflag:$0x1] =	stream.indirect.gather [hbm4b:s7+s5], $0x1, s2, s5, $0xb8;
	[tilespmem:$0x2400] =	vst v63  }
0x21: {  	_ =	swait.ge [sflag:s4], $0x1200  }
.Ltmp1:
0x22: {  	[sflag:s4] =	ssyncset.done $0x0;
	(pc) =	sbr.rel @p0 .LBB2_1-.Ltmp1, $4  }
0x23: {  	[sflag:s4] =	ssyncadd.s32 $0xFFFFEE00  }
0x24: {  	[hbm4b:s8+s2] =	stream.linear.scatter [tilespmem:s5], [sflag:$0x1], $0x1200, $0x38;
	[tilespmem:$0x2400] =	vst v63  }
0x25: {  	_ =	swait.ge [sflag:s4], $0x1200  }
0x26: {  	[sflag:s4] =	ssyncset.done $0x0  }
.LBB2_2:
0x27: {  	[sflag:s4] =	ssyncadd.s32 $0xFFFFEE00  }
0x28: {  	_ =	sfence.sel $0x180000  }
0x29: {  	[bflag:$0x0] =	sbarrier.arrive $0xFFFF  }
0x2a: {  	p0 =	sne.s32 s0, $0x0;
	_ =	strace $0x90000047  }
0x2b: {  	s0 =	sadd.s32 @!p0 $0x100000, s1;
	[bflag:$0x2] =	sbarrier.arrive $0xFFFF  }
0x2c: {  	[sflag:s0] =	ssyncadd.tile.s32 @!p0 $0x1;
	_ =	shalt  }
.Lfunc_end2:
_tile_overlayer_lowered:
.L_overlay_start_2:
0x2d: {  	(tag) =	ssettag $0x2  }
0x2e: {  	s0 =	rddreg [dreg:$0x0];
	s2 =	stileid.u32  }
0x2f: {  	s1 =	rddreg [dreg:$0x1];
	p0 =	sne.s32 s2, $0x0  }
0x30: {  	s3 =	rddreg [dreg:$0x2];
	[bflag:$0x3] =	sbarrier.arrive $0xFFFF;
	s2 =	simm.s32 @!p0 $0x1C01  }
0x31: {  	[timem:s3], [sflag:s2] =	dma.local @!p0 [hbm:s0], s1  }
0x32: {  	s0 =	simm.s32 @!p0 $0x1  }
0x33: {  	_ =	swait.ge @!p0 [sflag:s0], s1  }
0x34: {  	s1 =	ssub.s32 @!p0 $0x0, s1;
	[sflag:s0] =	ssyncset.done @!p0 $0x0  }
0x35: {  	[sflag:s0] =	ssyncadd.s32 @!p0 s1  }
0x36: {  	[bflag:$0x3] =	sbarrier.arrive $0xFFFF  }
0x37: {  	_ =	shalt  }

// kernel: kernel.5.cloned.1.call-start
scs
__scs_entry_jumppad:
0x0: {  	(pc) =	sbr.rel $0x88, $3  }
0x1: {  	(tag) =	ssettag $0x0;
	lr =	simm.s32 $0x1  }
0x2: {  	[smem:$0x3F9F] =	sst lr;
	_ =	strace $0xD0000000  }
0x3: {  	_ = 	snop  }
0x4: {  	_ = 	snop  }
0x5: {  	_ = 	snop  }
0x6: {  	_ = 	snop  }
0x7: {  	_ = 	snop  }
__scs_overlays_trampoline_lowered:
0x8: {  	[smem:$0x3FAE] =	sst s0  }
0x9: {  	[smem:$0x3FAF] =	sst s1  }
0xa: {  	[smem:$0x3FB0] =	sst s2  }
0xb: {  	[smem:$0x3FB1] =	sst s3  }
0xc: {  	[smem:$0x3FB2] =	sst s4  }
0xd: {  	[smem:$0x3FB3] =	sst s5  }
0xe: {  	[smem:$0x3FB4] =	sst s6  }
0xf: {  	[smem:$0x3FB5] =	sst s7  }
0x10: {  	[smem:$0x3FB6] =	sst s8  }
0x11: {  	[smem:$0x3FB7] =	sst s9;
	s0 =	simm.s32 @!p0 $0x0  }
0x12: {  	s1 =	sld [smem:$0x3F9D];
	s0 =	simm.s32 @p0 $0x1  }
0x13: {  	[smem:$0x3FB8] =	sst s0;
	s0 =	simm.s32 @!p1 $0x0  }
0x14: {  	s2 =	sld [smem:$0x3F9C];
	s0 =	simm.s32 @p1 $0x1  }
0x15: {  	[smem:$0x3FB9] =	sst s0;
	s0 =	simm.s32 @!p2 $0x0  }
0x16: {  	s3 =	sld [smem:$0x3FDB];
	s0 =	simm.s32 @p2 $0x1  }
0x17: {  	s4 =	simm.s32 $0x1BF5;
	[smem:$0x3FBB] =	sst s0  }
0x18: {  	s0 =	sld [smem:$0x3F9E];
	_ =	swait.ge [sflag:s4], $0x0  }
0x19: {  	s7 =	sld [smem:$0x3F9F]  }
0x1a: {  	s8 =	sadd.s32 $0xFFFFE003, lr  }
0x1b: {  	s9 =	sadd.s32 $0xFFFFFEF7, lr;
	s5 =	simm.s32 $0xFFFFFFFF;
	p2 =	slt.u32 s8, $0xFFFFF086  }
0x1c: {  	p1 =	slt.u32 s9, $0xF7A;
	s5 =	simm.s32 @!p2 $0x0  }
0x1d: {  	s5 =	simm.s32 @p1 $0x1;
	p0 =	seq.s32 s7, s2  }
0x1e: {  	s7 =	smul.u32 @!p0 $0xF7A, s2;
	p2 =	seq.s32 @!p0 s5, $0x0  }
0x1f: {  	s9 =	smul.u32 $0xF7A, s1;
	s8 =	simm.s32 @!p0 $0x1BF5;
	p2 =	por !p2, p0  }
0x20: {  	[sflag:s8] =	ssyncset.s32 @!p0 $0xFFFFF086;
	s6 =	sadd.s32 @!p0 s3, s7;
	s7 =	simm.s32 @!p0 $0x108  }
0x21: {  	s3 =	sadd.s32 s3, s9;
	s6 =	sadd.s32 @!p0 $0x88, s6;
	s7 =	simm.s32 @p2 $0x1082  }
0x22: {  	[simem:s7], [sflag:s8] =	dma.local @!p0 [hbm:s6], $0xF7A  }
0x23: {  	s9 =	sor.u32 $0xD0000000, s2;
	s6 =	simm.s32 $0x108;
	_ =	swait.ge @!p0 [sflag:s8], $0x0  }
0x24: {  	s3 =	sadd.s32 $0x88, s3;
	s6 =	simm.s32 @!p1 $0x1082;
	[sflag:s4] =	ssyncset.s32 $0xFFFFF086  }
0x25: {  	[simem:s6], [sflag:s4] =	dma.local [hbm:s3], $0xF7A  }
0x26: {  	[smem:$0x3F9F] =	sst s1;
	(tag) =	ssettag s2;
	_ =	strace s9  }
0x27: {  	s1 =	sld [smem:$0x3FAF]  }
0x28: {  	s2 =	sld [smem:$0x3FB0]  }
0x29: {  	s4 =	sld [smem:$0x3FB2]  }
0x2a: {  	p0 =	seq.s32 s5, $0x0;
	s5 =	sld [smem:$0x3FB3]  }
0x2b: {  	s6 =	sld [smem:$0x3FB4]  }
0x2c: {  	s7 =	sld [smem:$0x3FB5]  }
0x2d: {  	s3 =	simm.s32 $0x108;
	s8 =	sld [smem:$0x3FB6]  }
0x2e: {  	s3 =	simm.s32 @!p0 $0x1082;
	s9 =	sld [smem:$0x3FB7]  }
0x2f: {  	lr =	sadd.s32 s0, s3;
	s0 =	sld [smem:$0x3FAE]  }
0x30: {  	s3 =	sld [smem:$0x3FB1]  }
0x31: {  	[smem:$0x3FBA] =	sst s10  }
0x32: {  	s10 =	sld [smem:$0x3FB8];
	_ =	sdelay $0x3  }
0x33: {  	p0 =	seq.s32 s10, $0x1;
	s10 =	sld [smem:$0x3FBA];
	_ =	sdelay $0x3  }
0x34: {  	[smem:$0x3FBA] =	sst s10  }
0x35: {  	s10 =	sld [smem:$0x3FB9];
	_ =	sdelay $0x3  }
0x36: {  	p1 =	seq.s32 s10, $0x1;
	s10 =	sld [smem:$0x3FBA];
	_ =	sdelay $0x3  }
0x37: {  	[smem:$0x3FBA] =	sst s10  }
0x38: {  	s10 =	sld [smem:$0x3FBB]  }
0x39: {  	_ = 	snop;
	(pc) =	sbr.ind lr, $3  }
0x3a: {  	_ = 	snop  }
0x3b: {  	_ = 	snop  }
0x3c: {  	p2 =	seq.s32 s10, $0x1;
	s10 =	sld [smem:$0x3FBA]  }
0x3d: {  	_ =	shalt  }
0x3e: {  	_ =	shalt  }
0x3f: {  	_ =	shalt  }
0x40: {  	_ =	shalt  }
0x41: {  	_ =	shalt  }
0x42: {  	_ =	shalt  }
0x43: {  	_ =	shalt  }
0x44: {  	_ =	shalt  }
0x45: {  	_ =	shalt  }
0x46: {  	_ =	shalt  }
0x47: {  	_ =	shalt  }
0x48: {  	_ =	shalt  }
0x49: {  	_ =	shalt  }
0x4a: {  	_ =	shalt  }
0x4b: {  	_ =	shalt  }
0x4c: {  	_ =	shalt  }
0x4d: {  	_ =	shalt  }
0x4e: {  	_ =	shalt  }
0x4f: {  	_ =	shalt  }
0x50: {  	_ =	shalt  }
0x51: {  	_ =	shalt  }
0x52: {  	_ =	shalt  }
0x53: {  	_ =	shalt  }
0x54: {  	_ =	shalt  }
0x55: {  	_ =	shalt  }
0x56: {  	_ =	shalt  }
0x57: {  	_ =	shalt  }
0x58: {  	_ =	shalt  }
0x59: {  	_ =	shalt  }
0x5a: {  	_ =	shalt  }
0x5b: {  	_ =	shalt  }
0x5c: {  	_ =	shalt  }
0x5d: {  	_ =	shalt  }
0x5e: {  	_ =	shalt  }
0x5f: {  	_ =	shalt  }
0x60: {  	_ =	shalt  }
0x61: {  	_ =	shalt  }
0x62: {  	_ =	shalt  }
0x63: {  	_ =	shalt  }
0x64: {  	_ =	shalt  }
0x65: {  	_ =	shalt  }
0x66: {  	_ =	shalt  }
0x67: {  	_ =	shalt  }
0x68: {  	_ =	shalt  }
0x69: {  	_ =	shalt  }
0x6a: {  	_ =	shalt  }
0x6b: {  	_ =	shalt  }
0x6c: {  	_ =	shalt  }
0x6d: {  	_ =	shalt  }
0x6e: {  	_ =	shalt  }
0x6f: {  	_ =	shalt  }
0x70: {  	_ =	shalt  }
0x71: {  	_ =	shalt  }
0x72: {  	_ =	shalt  }
0x73: {  	_ =	shalt  }
0x74: {  	_ =	shalt  }
0x75: {  	_ =	shalt  }
0x76: {  	_ =	shalt  }
0x77: {  	_ =	shalt  }
0x78: {  	_ =	shalt  }
0x79: {  	_ =	shalt  }
0x7a: {  	_ =	shalt  }
0x7b: {  	_ =	shalt  }
0x7c: {  	_ =	shalt  }
0x7d: {  	_ =	shalt  }
0x7e: {  	_ =	shalt  }
0x7f: {  	_ =	shalt  }
0x80: {  	_ =	shalt  }
0x81: {  	_ =	shalt  }
0x82: {  	_ =	shalt  }
0x83: {  	_ =	shalt  }
0x84: {  	_ =	shalt  }
0x85: {  	_ =	shalt  }
0x86: {  	_ =	shalt  }
0x87: {  	_ =	shalt  }
.Lfunc_end0:
.L_simem_size_0:
called_computation.1_lowered:
.L_overlay_start_0:
0x88: {  	s2 =	sld [smem:$0x3FD9]  }
0x89: {  	s3 =	sld [smem:$0x3FFE];
	_ =	sdelay $0x1  }
0x8a: {  	s1 =	srdreg.scid  }
0x8b: {  	s0 =	sand.u32 $0x1, s1  }
0x8c: {  	s14 =	sshll.u32 s0, $0xA;
	s2 =	sadd.s32 s3, s2  }
0x8d: {  	s2 =	sadd.s32 s2, s14  }
0x8e: {  	[smem:$0x3FC6] =	sst s2  }
0x8f: {  	_ = 	snop  }
0x90: {  	s2 =	sld [smem:$0x3FD0];
	_ =	sdelay $0x2  }
0x91: {  	s15 =	simm.s32 $0xA;
	s4 =	simm.s32 $0x10  }
0x92: {  	[smem:s4], [sflag:s15] =	dma.local [hbm:s2], $0x1  }
0x93: {  	_ =	swait.eq [sflag:s15], $0x1  }
0x94: {  	[sflag:s15] =	ssyncset.done $0x0  }
0x95: {  	[sflag:s15] =	ssyncadd.s32 $0xFFFFFFFF  }
0x96: {  	s16 =	sld [smem:$0x10];
	(tm) =	ssettm $0x1  }
0x97: {  	s17 =	sld [smem:$0x3FFB];
	_ =	sdelay $0x3  }
0x98: {  	_ =	strace s17  }
0x99: {  	s3 =	sld [smem:$0x3FFC];
	_ =	sdelay $0x3  }
0x9a: {  	_ =	strace s3  }
0x9b: {  	s3 =	sld [smem:$0x3FFD];
	_ =	sdelay $0x3  }
0x9c: {  	_ =	strace s3  }
0x9d: {  	_ =	strace $0x8FFFFFFF  }
0x9e: {  	s18 =	sld [smem:$0x3FDB];
	_ =	sdelay $0x1  }
0x9f: {  	s19 =	simm.s32 $_scs_section_size  }
0xa0: {  	s5 =	simm.s32 $_size__tile_overlayer_lowered;
	s6 =	simm.s32 $_tile_overlayer_lowered  }
0xa1: {  	s22 =	simm.s32 $0x1BFF;
	s21 =	sshll.u32 s6, $0x1;
	s3 =	sadd.s32 s19, s18  }
0xa2: {  	s7 =	simm.s32 $0x0;
	s20 =	sshll.u32 s5, $0x1;
	s5 =	sadd.s32 s21, s3  }
0xa3: {  	[timem:s7], [sflag:s22] =	dma.local [hbm:s5], s20  }
0xa4: {  	_ =	swait.ge [sflag:s22], s20  }
0xa5: {  	s4 =	ssub.s32 $0x0, s20;
	[sflag:s22] =	ssyncset.done $0x0  }
0xa6: {  	[sflag:s22] =	ssyncadd.s32 s4;
	_ =	sdelay $0x1  }
0xa7: {  	s23 =	simm.s32 $0x1B8B  }
0xa8: {  	_ =	swait.ge [sflag:s23], $0x1  }
0xa9: {  	[sflag:s23] =	ssyncset.done $0x0  }
0xaa: {  	s25 =	simm.s32 $0x1B8E;
	s24 =	sld [smem:$0x3FFE];
	[sflag:s23] =	ssyncadd.s32 $0xFFFFFFFF  }
0xab: {  	s26 =	simm.s32 $execute0_lowered;
	[smem:$0x3FD2] =	sst s25  }
0xac: {  	s5 =	sshll.u32 s26, $0x1;
	_ =	strace $0x80000049;
	[dreg:$0x1] =	wrdreg $0xFFFFFFFF  }
0xad: {  	s28 =	simm.s32 $_size_execute0_lowered;
	s3 =	sadd.s32 s3, s5;
	[dreg:$0x0] =	wrdreg $0x0  }
0xae: {  	s5 =	sshll.u32 s28, $0x1;
	[dreg:$0x2] =	wrdreg s3  }
0xaf: {  	[dreg:$0x3] =	wrdreg s5  }
0xb0: {  	[dreg:$0x4] =	wrdreg $0xC0  }
0xb1: {  	_ =	task [dreg:s7], $0x5FFFF  }
0xb2: {  	[dreg:$0x1] =	wrdreg $0xFFFFFFFF  }
0xb3: {  	[dreg:$0x0] =	wrdreg $0x60  }
0xb4: {  	[dreg:$0x2] =	wrdreg s16  }
0xb5: {  	[dreg:$0x3] =	wrdreg s24  }
0xb6: {  	[dreg:$0x4] =	wrdreg $0x6C000  }
0xb7: {  	[dreg:$0x5] =	wrdreg $0x90080  }
0xb8: {  	[dreg:$0x6] =	wrdreg $0xB4100  }
0xb9: {  	[dreg:$0x7] =	wrdreg $0xD8180  }
0xba: {  	[dreg:$0x8] =	wrdreg $0x9  }
0xbb: {  	_ =	task.clear_ibuf [dreg:s7], $0x9FFFF;
	_ =	strace $0x90000049  }
0xbc: {  	s29 =	simm.s32 $0x9;
	_ =	strace $0x8000004B  }
0xbd: {  	_ =	swait.ge [sflag:s29], $0x1  }
0xbe: {  	[sflag:s29] =	ssyncadd.s32 $0xFFFFFFFF  }
0xbf: {  	_ =	strace $0x9000004B  }
0xc0: {  	_ =	sfence  }
0xc1: {  	s30 =	sld [smem:$0x0];
	_ =	sdelay $0x2  }
0xc2: {  	s31 =	sshll.u32 s1, $0xD;
	s1 =	sshrl.u32 s1, $0x2  }
0xc3: {  	s3 =	sand.u32 $0x4000, s31;
	s1 =	sadd.s32 s1, s30  }
0xc4: {  	s0 =	sor.u32 s3, s0;
	s1 =	sshll.u32 s1, $0x11  }
0xc5: {  	s0 =	sor.u32 s1, s0  }
0xc6: {  	s0 =	sadd.s32 $0x8F2B, s0  }
0xc7: {  	[sflag:s0] =	ssyncadd.remote.s32 $0x1  }
0xc8: {  	_ =	sfence.sel $0xFFFF  }
0xc9: {  	[dreg:$0x0] =	wrdreg $0xFFFFFFFF;
	(pc) =	sbr.abs _section_cstart, $3  }
0xca: {  	[dreg:$0x1] =	wrdreg $0xFFFFFFFF  }
0xcb: {  	_ =	task.clear_ibuf [dreg:s7], $0x2FFFF;
	_ =	strace $0x9FFFFFFF  }
0xcc: {  	(tm) =	ssettm $0x7FFFFFFF  }
0xcd: {  	_ =	shalt  }
tec
execute0_lowered:
.L_overlay_start_1:
0x0: {  	(tag) =	ssettag $0x1  }
0x1: {  	s0 =	rddreg [dreg:$0x0]  }
0x2: {  	s1 =	rddreg [dreg:$0x1]  }
0x3: {  	s8 =	rddreg [dreg:$0x2]  }
0x4: {  	s9 =	rddreg [dreg:$0x3]  }
0x5: {  	s3 =	rddreg [dreg:$0x4]  }
0x6: {  	s4 =	rddreg [dreg:$0x5];
	s2 =	simm.s32 $0x0;
	s5 =	srdreg.scid  }
0x7: {  	s20 =	stileid.u32;
	s30 =	simm.s32 $0x1200;
	s29 =	simm.s32 $0x5A00  }
0x8: {  	s28 =	simm.s32 $0x1680;
	[smem:$0x7FF] =	sst s2;
	s5 =	sand.u32 $0x1, s5  }
0x9: {  	s6 =	sshll.u32 s20, $0x1;
	s7 =	sadd.s32 $0x4E00, s1;
	s24 =	sadd.s32 $0x9600, s1  }
0xa: {  	s10 =	sadd.s32 $0x200, s1;
	s25 =	sadd.s32 $0xE000, s1;
	s26 =	sadd.s32 $0x12A00, s1  }
0xb: {  	s18 =	sadd.s32 $0x17400, s1;
	_ =	strace $0x8000004A;
	[dreg:$0x7] =	wrdreg s7  }
0xc: {  	s19 =	sadd.s32 $0x20400, s1;
	s1 =	sadd.s32 $0x1BC00, s1;
	[dreg:$0x8] =	wrdreg s24  }
0xd: {  	p0 =	sgt.s32 s20, $0x1;
	s6 =	sor.u32 s5, s6;
	[dreg:$0x9] =	wrdreg s25  }
0xe: {  	[dreg:$0xa] =	wrdreg s26;
	s5 =	ssub.s32 $0x2, s5;
	s6 =	smul.u32 $0x1200, s6  }
0xf: {  	p1 =	seq.s32 @p0 s20, $0x2;
	p4 =	seq.s32 @!p0 s20, $0x0;
	s7 =	simm.s32 $0x3  }
0x10: {  	p2 =	por p1, !p0;
	p3 =	por p4, p0;
	s6 =	sshrl.u32 s6, $0x3  }
0x11: {  	s31 =	rddreg [dreg:$0xa];
	p2 =	seq.s32 @!p2 s20, $0x3;
	s11 =	sadd.s32 s10, s6  }
0x12: {  	p5 =	seq.s32 @!p3 s20, $0x1;
	s12 =	sadd.s32 s0, s6;
	[dreg:$0xb] =	wrdreg s11  }
0x13: {  	p3 =	por !p1, !p0;
	s21 =	sadd.s32 s18, s6;
	[dreg:$0xc] =	wrdreg s12  }
0x14: {  	s22 =	sadd.s32 s19, s6;
	s11 =	sadd.s32 $0x90, s6;
	[dreg:$0x13] =	wrdreg s21  }
0x15: {  	p2 =	por @p0 !p2, p1;
	[dreg:$0x14] =	wrdreg s22;
	s13 =	sadd.s32 s10, s11  }
0x16: {  	s12 =	sadd.s32 $0x120, s6;
	s14 =	sadd.s32 s0, s11;
	[dreg:$0xd] =	wrdreg s13  }
0x17: {  	p5 =	por @!p0 !p5, p4;
	s15 =	sadd.s32 s10, s12;
	[dreg:$0xe] =	wrdreg s14  }
0x18: {  	p1 =	por !p4, p0;
	s16 =	sadd.s32 s0, s12;
	[dreg:$0xf] =	wrdreg s15  }
0x19: {  	p4 =	por $0x0, $0x0;
	s23 =	sadd.s32 s18, s11;
	[dreg:$0x10] =	wrdreg s16  }
0x1a: {  	p2 =	por p2, !p0;
	s24 =	sadd.s32 s19, s11;
	[dreg:$0x15] =	wrdreg s23  }
0x1b: {  	p0 =	por p5, p0;
	s25 =	sadd.s32 s18, s12;
	[dreg:$0x16] =	wrdreg s24  }
0x1c: {  	s26 =	sadd.s32 s19, s12;
	s13 =	sadd.s32 $0x1B0, s6;
	[dreg:$0x17] =	wrdreg s25  }
0x1d: {  	[dreg:$0x18] =	wrdreg s26;
	s16 =	sadd.s32 s1, s6;
	s6 =	simm.s32 $0x1  }
0x1e: {  	s26 =	simm.s32 $0x5E80;
	s25 =	simm.s32 $0x1B00;
	s23 =	simm.s32 $0x6300  }
0x1f: {  	s24 =	simm.s32 $0x2;
	s17 =	sadd.s32 s10, s13;
	s0 =	sadd.s32 s0, s13  }
0x20: {  	s14 =	sadd.s32 s18, s13;
	s15 =	sadd.s32 s19, s13;
	[dreg:$0x1b] =	wrdreg s16  }
0x21: {  	s18 =	sadd.s32 s1, s11;
	[dreg:$0x11] =	wrdreg s17;
	s17 =	sshrl.u32 s5, $0x1  }
0x22: {  	s19 =	sadd.s32 s1, s12;
	s21 =	sadd.s32 s1, s13;
	s5 =	ssub.s32 s5, s17  }
0x23: {  	s10 =	simm.s32 $0x480;
	[dreg:$0x12] =	wrdreg s0;
	s22 =	smax.u32 s5, $0x1  }
0x24: {  	s13 =	simm.s32 $0x3600;
	[dreg:$0x1c] =	wrdreg s18;
	s18 =	sadd.s32 $0xFFFFFFFF, s22  }
0x25: {  	s11 =	simm.s32 $0x3A80;
	[dreg:$0x19] =	wrdreg s14;
	p5 =	sne.s32 s18, $0x0  }
.Ltmp0:
0x26: {  	s1 =	simm.s32 $0x4380;
	[dreg:$0x1a] =	wrdreg s15;
	(pc) =	sbr.rel @!p5 .LBB2_1-.Ltmp0, $4  }
0x27: {  	s12 =	simm.s32 $0x4;
	s16 =	sshrl.u32 @!p2 s4, $0x3;
	[dreg:$0x1d] =	wrdreg s19  }
0x28: {  	[dreg:$0x1e] =	wrdreg s21;
	s21 =	simm.s32 $0x1F80;
	s14 =	simm.s32 $0x3180  }
0x29: {  	s0 =	sshrl.u32 @!p1 s8, $0x3;
	s19 =	sshrl.u32 @!p0 s9, $0x3;
	s17 =	sshrl.u32 @!p3 s3, $0x3  }
0x2a: {  	[smem:$0x7FD] =	sst s0;
	s5 =	simm.s32 $0x5;
	s22 =	simm.s32 $0x6  }
0x2b: {  	s1 =	simm.s32 @!p3 $0x1C87;
	s0 =	smov.u32 s19;
	s19 =	simm.s32 @!p3 $0x7  }
0x2c: {  	[spmem:s17], [sflag:s1] =	dma.local @!p3 [hbm:s31], $0x4810  }
0x2d: {  	_ =	swait.ge @!p3 [sflag:s19], $0x4810  }
0x2e: {  	s20 =	simm.s32 @!p2 $0x7;
	[sflag:s19] =	ssyncset.done @!p3 $0x0  }
0x2f: {  	s1 =	simm.s32 @!p2 $0x1CC7;
	s23 =	rddreg [dreg:$0x7];
	[sflag:s19] =	ssyncadd.s32 @!p3 $0xFFFFB7F0  }
0x30: {  	[spmem:s16], [sflag:s1] =	dma.local @!p2 [hbm:s23], $0x4800  }
0x31: {  	_ =	swait.ge @!p2 [sflag:s20], $0x4800  }
0x32: {  	s1 =	sld [smem:$0x7FD]  }
0x33: {  	s15 =	simm.s32 @!p1 $0x1C07;
	[sflag:s20] =	ssyncset.done @!p2 $0x0  }
0x34: {  	s23 =	simm.s32 @!p1 $0x7;
	s26 =	rddreg [dreg:$0x8];
	[sflag:s20] =	ssyncadd.s32 @!p2 $0xFFFFB800  }
0x35: {  	[spmem:s1], [sflag:s15] =	dma.local @!p1 [hbm:s26], $0x4810  }
0x36: {  	_ =	swait.ge @!p1 [sflag:s23], $0x4810  }
0x37: {  	s1 =	simm.s32 @!p0 $0x1C47;
	[dreg:$0x1f] =	wrdreg s0;
	[sflag:s23] =	ssyncset.done @!p1 $0x0  }
0x38: {  	s26 =	simm.s32 @!p0 $0x7;
	s31 =	rddreg [dreg:$0x9];
	[sflag:s23] =	ssyncadd.s32 @!p1 $0xFFFFB7F0  }
0x39: {  	[spmem:s0], [sflag:s1] =	dma.local @!p0 [hbm:s31], $0x4810  }
0x3a: {  	_ =	swait.ge @!p0 [sflag:s26], $0x4810  }
0x3b: {  	[sflag:s26] =	ssyncset.done @!p0 $0x0  }
0x3c: {  	[sflag:s26] =	ssyncadd.s32 @!p0 $0xFFFFB7F0  }
0x3d: {  	[bflag:$0x0] =	sbarrier.arrive $0xFFFF  }
0x3e: {  	s31 =	rddreg [dreg:$0xb]  }
0x3f: {  	s29 =	rddreg [dreg:$0xc]  }
0x40: {  	[smem:$0x7FA] =	sst s16  }
0x41: {  	[smem:$0x7FC] =	sst s18  }
0x42: {  	[tilespmem:s2], [sflag:$0x1] =	stream.linear.gather [hbm4b:s31+s2], $0x480, $0x38;
	[tilespmem:$0xFC18] =	vst v63  }
0x43: {  	s16 =	simm.s32 $0x4800;
	[smem:$0x7FB] =	sst s17  }
0x44: {  	[tilespmem:s16], [sflag:$0x5] =	stream.linear.gather [hbm4b:s29+s2], $0x480, $0x38;
	[tilespmem:$0xFC18] =	vst v63  }
0x45: {  	s31 =	rddreg [dreg:$0xd]  }
0x46: {  	[tilespmem:s10], [sflag:$0x1] =	stream.linear.gather [hbm4b:s31+s2], $0x480, $0x38;
	[tilespmem:$0xFC18] =	vst v63  }
0x47: {  	s15 =	simm.s32 $0x4C80;
	s29 =	rddreg [dreg:$0xe]  }
0x48: {  	[tilespmem:s15], [sflag:$0x5] =	stream.linear.gather [hbm4b:s29+s2], $0x480, $0x38;
	[tilespmem:$0xFC18] =	vst v63  }
0x49: {  	s18 =	simm.s32 $0x900;
	s31 =	rddreg [dreg:$0xf]  }
0x4a: {  	[tilespmem:s18], [sflag:$0x1] =	stream.linear.gather [hbm4b:s31+s2], $0x480, $0x38;
	[tilespmem:$0xFC18] =	vst v63  }
0x4b: {  	s0 =	simm.s32 $0x5100;
	s29 =	rddreg [dreg:$0x10]  }
0x4c: {  	[tilespmem:s0], [sflag:$0x5] =	stream.linear.gather [hbm4b:s29+s2], $0x480, $0x38;
	[tilespmem:$0xFC18] =	vst v63  }
0x4d: {  	s17 =	simm.s32 $0xD80;
	s31 =	rddreg [dreg:$0x11]  }
0x4e: {  	[tilespmem:s17], [sflag:$0x1] =	stream.linear.gather [hbm4b:s31+s2], $0x480, $0x38;
	[tilespmem:$0xFC18] =	vst v63  }
0x4f: {  	s1 =	simm.s32 $0x5580;
	s29 =	rddreg [dreg:$0x12]  }
0x50: {  	[tilespmem:s1], [sflag:$0x5] =	stream.linear.gather [hbm4b:s29+s2], $0x480, $0x38;
	[tilespmem:$0xFC18] =	vst v63  }
0x51: {  	_ =	swait.ge [sflag:s6], $0x480  }
0x52: {  	[sflag:s6] =	ssyncset.done $0x0  }
0x53: {  	[sflag:s6] =	ssyncadd.s32 $0xFFFFFB80  }
0x54: {  	[tilespmem:s30], [sflag:$0x2] =	stream.indirect.gather [spmem:s9], $0x1, s2, s10, $0xb8;
	[tilespmem:$0xFC18] =	vst v63  }
0x55: {  	_ =	swait.ge [sflag:s5], $0x480  }
0x56: {  	[sflag:s5] =	ssyncset.done $0x0  }
0x57: {  	s11 =	simm.s32 $0x5A00;
	[sflag:s5] =	ssyncadd.s32 $0xFFFFFB80  }
0x58: {  	[tilespmem:s11], [sflag:$0x6] =	stream.indirect.gather [spmem:s8], $0x1, s16, s10, $0xb8;
	[tilespmem:$0xFC18] =	vst v63  }
0x59: {  	_ =	swait.ge [sflag:s6], $0x480  }
0x5a: {  	[sflag:s6] =	ssyncset.done $0x0  }
0x5b: {  	[sflag:s6] =	ssyncadd.s32 $0xFFFFFB80  }
0x5c: {  	[tilespmem:s28], [sflag:$0x2] =	stream.indirect.gather [spmem:s9], $0x1, s10, s10, $0xb8;
	[tilespmem:$0xFC18] =	vst v63  }
0x5d: {  	_ =	swait.ge [sflag:s5], $0x480  }
0x5e: {  	[sflag:s5] =	ssyncset.done $0x0  }
0x5f: {  	s31 =	simm.s32 $0x5E80;
	[sflag:s5] =	ssyncadd.s32 $0xFFFFFB80  }
0x60: {  	[tilespmem:s31], [sflag:$0x6] =	stream.indirect.gather [spmem:s8], $0x1, s15, s10, $0xb8;
	[tilespmem:$0xFC18] =	vst v63  }
0x61: {  	_ =	swait.ge [sflag:s6], $0x480  }
0x62: {  	[sflag:s6] =	ssyncset.done $0x0  }
0x63: {  	[sflag:s6] =	ssyncadd.s32 $0xFFFFFB80  }
0x64: {  	[tilespmem:s25], [sflag:$0x2] =	stream.indirect.gather [spmem:s9], $0x1, s18, s10, $0xb8;
	[tilespmem:$0xFC18] =	vst v63  }
0x65: {  	_ =	swait.ge [sflag:s5], $0x480  }
0x66: {  	[sflag:s5] =	ssyncset.done $0x0  }
0x67: {  	s16 =	simm.s32 $0x6300;
	[sflag:s5] =	ssyncadd.s32 $0xFFFFFB80  }
0x68: {  	[tilespmem:s16], [sflag:$0x6] =	stream.indirect.gather [spmem:s8], $0x1, s0, s10, $0xb8;
	[tilespmem:$0xFC18] =	vst v63  }
0x69: {  	_ =	swait.ge [sflag:s6], $0x480  }
0x6a: {  	[sflag:s6] =	ssyncset.done $0x0  }
0x6b: {  	[sflag:s6] =	ssyncadd.s32 $0xFFFFFB80  }
0x6c: {  	[tilespmem:s21], [sflag:$0x2] =	stream.indirect.gather [spmem:s9], $0x1, s17, s10, $0xb8;
	[tilespmem:$0xFC18] =	vst v63  }
0x6d: {  	_ =	swait.ge [sflag:s5], $0x480  }
0x6e: {  	[sflag:s5] =	ssyncset.done $0x0  }
0x6f: {  	s15 =	simm.s32 $0x6780;
	[sflag:s5] =	ssyncadd.s32 $0xFFFFFB80  }
0x70: {  	[tilespmem:s15], [sflag:$0x6] =	stream.indirect.gather [spmem:s8], $0x1, s1, s10, $0xb8;
	[tilespmem:$0xFC18] =	vst v63  }
0x71: {  	_ =	swait.ge [sflag:s24], $0x480  }
0x72: {  	[sflag:s24] =	ssyncset.done $0x0  }
0x73: {  	s17 =	simm.s32 $0x2400;
	[sflag:s24] =	ssyncadd.s32 $0xFFFFFB80  }
0x74: {  	[tilespmem:s17], [sflag:$0x3] =	stream.indirect.gather [spmem:s4], $0x1, s30, s10, $0xb8;
	[tilespmem:$0xFC18] =	vst v63  }
0x75: {  	s29 =	rddreg [dreg:$0x13]  }
0x76: {  	[hbm4b:s29+s2] =	stream.linear.scatter [tilespmem:s30], [sflag:$0x1], $0x480, $0x38;
	[tilespmem:$0xFC18] =	vst v63  }
0x77: {  	_ =	swait.ge [sflag:s22], $0x480  }
0x78: {  	[sflag:s22] =	ssyncset.done $0x0  }
0x79: {  	s11 =	simm.s32 $0x5A00;
	s29 =	rddreg [dreg:$0x14];
	[sflag:s22] =	ssyncadd.s32 $0xFFFFFB80  }
0x7a: {  	[hbm4b:s29+s2] =	stream.linear.scatter [tilespmem:s11], [sflag:$0x5], $0x480, $0x38;
	[tilespmem:$0xFC18] =	vst v63  }
0x7b: {  	_ =	swait.ge [sflag:s24], $0x480  }
0x7c: {  	[sflag:s24] =	ssyncset.done $0x0  }
0x7d: {  	s0 =	simm.s32 $0x2880;
	[sflag:s24] =	ssyncadd.s32 $0xFFFFFB80  }
0x7e: {  	[tilespmem:s0], [sflag:$0x3] =	stream.indirect.gather [spmem:s4], $0x1, s28, s10, $0xb8;
	[tilespmem:$0xFC18] =	vst v63  }
0x7f: {  	s29 =	rddreg [dreg:$0x15]  }
0x80: {  	[hbm4b:s29+s2] =	stream.linear.scatter [tilespmem:s28], [sflag:$0x1], $0x480, $0x38;
	[tilespmem:$0xFC18] =	vst v63  }
0x81: {  	_ =	swait.ge [sflag:s22], $0x480  }
0x82: {  	[sflag:s22] =	ssyncset.done $0x0  }
0x83: {  	s29 =	rddreg [dreg:$0x16];
	[sflag:s22] =	ssyncadd.s32 $0xFFFFFB80  }
0x84: {  	[hbm4b:s29+s2] =	stream.linear.scatter [tilespmem:s31], [sflag:$0x5], $0x480, $0x38;
	[tilespmem:$0xFC18] =	vst v63  }
0x85: {  	_ =	swait.ge [sflag:s24], $0x480  }
0x86: {  	[sflag:s24] =	ssyncset.done $0x0  }
0x87: {  	s11 =	simm.s32 $0x2D00;
	[sflag:s24] =	ssyncadd.s32 $0xFFFFFB80  }
0x88: {  	[tilespmem:s11], [sflag:$0x3] =	stream.indirect.gather [spmem:s4], $0x1, s25, s10, $0xb8;
	[tilespmem:$0xFC18] =	vst v63  }
0x89: {  	s29 =	rddreg [dreg:$0x17]  }
0x8a: {  	[hbm4b:s29+s2] =	stream.linear.scatter [tilespmem:s25], [sflag:$0x1], $0x480, $0x38;
	[tilespmem:$0xFC18] =	vst v63  }
0x8b: {  	_ =	swait.ge [sflag:s22], $0x480  }
0x8c: {  	[sflag:s22] =	ssyncset.done $0x0  }
0x8d: {  	s29 =	rddreg [dreg:$0x18];
	[sflag:s22] =	ssyncadd.s32 $0xFFFFFB80  }
0x8e: {  	[hbm4b:s29+s2] =	stream.linear.scatter [tilespmem:s16], [sflag:$0x5], $0x480, $0x38;
	[tilespmem:$0xFC18] =	vst v63  }
0x8f: {  	_ =	swait.ge [sflag:s24], $0x480  }
0x90: {  	[sflag:s24] =	ssyncset.done $0x0  }
0x91: {  	[sflag:s24] =	ssyncadd.s32 $0xFFFFFB80  }
0x92: {  	[tilespmem:s14], [sflag:$0x3] =	stream.indirect.gather [spmem:s4], $0x1, s21, s10, $0xb8;
	[tilespmem:$0xFC18] =	vst v63  }
0x93: {  	s29 =	rddreg [dreg:$0x19]  }
0x94: {  	[hbm4b:s29+s2] =	stream.linear.scatter [tilespmem:s21], [sflag:$0x1], $0x480, $0x38;
	[tilespmem:$0xFC18] =	vst v63  }
0x95: {  	_ =	swait.ge [sflag:s22], $0x480  }
0x96: {  	[sflag:s22] =	ssyncset.done $0x0  }
0x97: {  	s29 =	rddreg [dreg:$0x1a];
	[sflag:s22] =	ssyncadd.s32 $0xFFFFFB80  }
0x98: {  	[hbm4b:s29+s2] =	stream.linear.scatter [tilespmem:s15], [sflag:$0x5], $0x480, $0x38;
	[tilespmem:$0xFC18] =	vst v63  }
0x99: {  	_ =	swait.ge [sflag:s7], $0x480  }
0x9a: {  	[sflag:s7] =	ssyncset.done $0x0  }
0x9b: {  	[sflag:s7] =	ssyncadd.s32 $0xFFFFFB80  }
0x9c: {  	[tilespmem:s13], [sflag:$0x4] =	stream.indirect.gather [spmem:s3], $0x1, s17, s10, $0xb8;
	[tilespmem:$0xFC18] =	vst v63  }
0x9d: {  	_ =	swait.ge [sflag:s7], $0x480  }
0x9e: {  	[sflag:s7] =	ssyncset.done $0x0  }
0x9f: {  	s15 =	simm.s32 $0x3A80;
	[sflag:s7] =	ssyncadd.s32 $0xFFFFFB80  }
0xa0: {  	[tilespmem:s15], [sflag:$0x4] =	stream.indirect.gather [spmem:s3], $0x1, s0, s10, $0xb8;
	[tilespmem:$0xFC18] =	vst v63  }
0xa1: {  	_ =	swait.ge [sflag:s7], $0x480  }
0xa2: {  	[sflag:s7] =	ssyncset.done $0x0  }
0xa3: {  	s16 =	simm.s32 $0x3F00;
	[sflag:s7] =	ssyncadd.s32 $0xFFFFFB80  }
0xa4: {  	[tilespmem:s16], [sflag:$0x4] =	stream.indirect.gather [spmem:s3], $0x1, s11, s10, $0xb8;
	[tilespmem:$0xFC18] =	vst v63  }
0xa5: {  	_ =	swait.ge [sflag:s7], $0x480  }
0xa6: {  	[sflag:s7] =	ssyncset.done $0x0  }
0xa7: {  	s17 =	simm.s32 $0x4380;
	[sflag:s7] =	ssyncadd.s32 $0xFFFFFB80  }
0xa8: {  	[tilespmem:s17], [sflag:$0x4] =	stream.indirect.gather [spmem:s3], $0x1, s14, s10, $0xb8;
	[tilespmem:$0xFC18] =	vst v63  }
0xa9: {  	_ =	swait.ge [sflag:s12], $0x480  }
0xaa: {  	[sflag:s12] =	ssyncset.done $0x0  }
0xab: {  	s29 =	rddreg [dreg:$0x1b];
	[sflag:s12] =	ssyncadd.s32 $0xFFFFFB80  }
0xac: {  	[hbm4b:s29+s2] =	stream.linear.scatter [tilespmem:s13], [sflag:$0x3], $0x480, $0x38;
	[tilespmem:$0xFC18] =	vst v63  }
0xad: {  	_ =	swait.ge [sflag:s12], $0x480  }
0xae: {  	[sflag:s12] =	ssyncset.done $0x0  }
0xaf: {  	s29 =	rddreg [dreg:$0x1c];
	[sflag:s12] =	ssyncadd.s32 $0xFFFFFB80  }
0xb0: {  	[hbm4b:s29+s2] =	stream.linear.scatter [tilespmem:s15], [sflag:$0x3], $0x480, $0x38;
	[tilespmem:$0xFC18] =	vst v63  }
0xb1: {  	_ =	swait.ge [sflag:s12], $0x480  }
0xb2: {  	[sflag:s12] =	ssyncset.done $0x0  }
0xb3: {  	s29 =	rddreg [dreg:$0x1d];
	[sflag:s12] =	ssyncadd.s32 $0xFFFFFB80  }
0xb4: {  	[hbm4b:s29+s2] =	stream.linear.scatter [tilespmem:s16], [sflag:$0x3], $0x480, $0x38;
	[tilespmem:$0xFC18] =	vst v63  }
0xb5: {  	_ =	swait.ge [sflag:s12], $0x480  }
0xb6: {  	[sflag:s12] =	ssyncset.done $0x0  }
0xb7: {  	s29 =	rddreg [dreg:$0x1e];
	[sflag:s12] =	ssyncadd.s32 $0xFFFFFB80  }
0xb8: {  	[hbm4b:s29+s2] =	stream.linear.scatter [tilespmem:s17], [sflag:$0x3], $0x480, $0x38;
	[tilespmem:$0xFC18] =	vst v63  }
0xb9: {  	_ =	swait.ge [sflag:s6], $0x480  }
0xba: {  	[sflag:s6] =	ssyncset.done $0x0  }
0xbb: {  	[sflag:s6] =	ssyncadd.s32 $0xFFFFFB80  }
0xbc: {  	_ =	swait.ge [sflag:s5], $0x480  }
0xbd: {  	[sflag:s5] =	ssyncset.done $0x0  }
0xbe: {  	[sflag:s5] =	ssyncadd.s32 $0xFFFFFB80  }
0xbf: {  	_ =	swait.ge [sflag:s7], $0x480  }
0xc0: {  	[sflag:s7] =	ssyncset.done $0x0  }
0xc1: {  	[sflag:s7] =	ssyncadd.s32 $0xFFFFFB80  }
0xc2: {  	_ =	swait.ge [sflag:s6], $0x480  }
0xc3: {  	[sflag:s6] =	ssyncset.done $0x0  }
0xc4: {  	[sflag:s6] =	ssyncadd.s32 $0xFFFFFB80  }
0xc5: {  	_ =	swait.ge [sflag:s5], $0x480  }
0xc6: {  	[sflag:s5] =	ssyncset.done $0x0  }
0xc7: {  	[sflag:s5] =	ssyncadd.s32 $0xFFFFFB80  }
0xc8: {  	_ =	swait.ge [sflag:s7], $0x480  }
0xc9: {  	[sflag:s7] =	ssyncset.done $0x0  }
0xca: {  	[sflag:s7] =	ssyncadd.s32 $0xFFFFFB80  }
0xcb: {  	_ =	swait.ge [sflag:s6], $0x480  }
0xcc: {  	[sflag:s6] =	ssyncset.done $0x0  }
0xcd: {  	[sflag:s6] =	ssyncadd.s32 $0xFFFFFB80  }
0xce: {  	_ =	swait.ge [sflag:s5], $0x480  }
0xcf: {  	[sflag:s5] =	ssyncset.done $0x0  }
0xd0: {  	[sflag:s5] =	ssyncadd.s32 $0xFFFFFB80  }
0xd1: {  	_ =	swait.ge [sflag:s7], $0x480  }
0xd2: {  	[sflag:s7] =	ssyncset.done $0x0  }
0xd3: {  	[sflag:s7] =	ssyncadd.s32 $0xFFFFFB80  }
0xd4: {  	_ =	swait.ge [sflag:s6], $0x480  }
0xd5: {  	[sflag:s6] =	ssyncset.done $0x0  }
0xd6: {  	[sflag:s6] =	ssyncadd.s32 $0xFFFFFB80  }
0xd7: {  	_ =	swait.ge [sflag:s5], $0x480  }
0xd8: {  	s18 =	sld [smem:$0x7FC];
	_ =	sdelay $0x2  }
0xd9: {  	s29 =	sadd.s32 $0xFFFFFFFF, s18  }
0xda: {  	p5 =	sne.s32 s29, $0x0  }
.Ltmp1:
0xdb: {  	_ = 	snop;
	(pc) =	sbr.rel @!p5 .LBB2_3-.Ltmp1, $4  }
0xdc: {  	p4 =	por $0x1, $0x1;
	[sflag:s5] =	ssyncset.done $0x0  }
0xdd: {  	s1 =	simm.s32 $0x2400;
	s15 =	simm.s32 $0x3180;
	[sflag:s5] =	ssyncadd.s32 $0xFFFFFB80  }
0xde: {  	s16 =	simm.s32 $0x2D00;
	s17 =	simm.s32 $0x2880;
	_ =	swait.ge [sflag:s7], $0x480  }
0xdf: {  	s31 =	rddreg [dreg:$0xa];
	[sflag:s7] =	ssyncset.done $0x0;
	s18 =	simm.s32 $0x6780  }
.LBB2_4:
0xe0: {  	s11 =	sld [smem:$0x7FB];
	_ =	sdelay $0x1  }
0xe1: {  	[sflag:s7] =	ssyncadd.s32 $0xFFFFFB80;
	s0 =	simm.s32 @!p3 $0x1C87  }
0xe2: {  	[spmem:s11], [sflag:s0] =	dma.local @!p3 [hbm:s31], $0x4810  }
0xe3: {  	_ =	swait.ge @!p3 [sflag:s19], $0x4810  }
0xe4: {  	s11 =	sld [smem:$0x7FA]  }
0xe5: {  	[sflag:s19] =	ssyncset.done @!p3 $0x0  }
0xe6: {  	s0 =	simm.s32 @!p2 $0x1CC7;
	s31 =	rddreg [dreg:$0x7];
	[sflag:s19] =	ssyncadd.s32 @!p3 $0xFFFFB7F0  }
0xe7: {  	[spmem:s11], [sflag:s0] =	dma.local @!p2 [hbm:s31], $0x4800  }
0xe8: {  	_ =	swait.ge @!p2 [sflag:s20], $0x4800  }
0xe9: {  	s0 =	sld [smem:$0x7FD]  }
0xea: {  	[sflag:s20] =	ssyncset.done @!p2 $0x0  }
0xeb: {  	s11 =	simm.s32 @!p1 $0x1C07;
	s31 =	rddreg [dreg:$0x8];
	[sflag:s20] =	ssyncadd.s32 @!p2 $0xFFFFB800  }
0xec: {  	[spmem:s0], [sflag:s11] =	dma.local @!p1 [hbm:s31], $0x4810  }
0xed: {  	_ =	swait.ge @!p1 [sflag:s23], $0x4810  }
0xee: {  	[sflag:s23] =	ssyncset.done @!p1 $0x0;
	s31 =	rddreg [dreg:$0x9]  }
0xef: {  	s11 =	simm.s32 @!p0 $0x1C47;
	s0 =	rddreg [dreg:$0x1f];
	[sflag:s23] =	ssyncadd.s32 @!p1 $0xFFFFB7F0  }
0xf0: {  	[spmem:s0], [sflag:s11] =	dma.local @!p0 [hbm:s31], $0x4810  }
0xf1: {  	_ =	swait.ge @!p0 [sflag:s26], $0x4810  }
0xf2: {  	[sflag:s26] =	ssyncset.done @!p0 $0x0  }
0xf3: {  	[sflag:s26] =	ssyncadd.s32 @!p0 $0xFFFFB7F0  }
0xf4: {  	[bflag:$0x0] =	sbarrier.arrive $0xFFFF  }
0xf5: {  	s31 =	rddreg [dreg:$0xb]  }
0xf6: {  	[tilespmem:s2], [sflag:$0x1] =	stream.linear.gather [hbm4b:s31+s2], $0x480, $0x38;
	[tilespmem:$0xFC18] =	vst v63  }
0xf7: {  	s28 =	simm.s32 $0x4800;
	s25 =	rddreg [dreg:$0xc]  }
0xf8: {  	[tilespmem:s28], [sflag:$0x5] =	stream.linear.gather [hbm4b:s25+s2], $0x480, $0x38;
	[tilespmem:$0xFC18] =	vst v63  }
0xf9: {  	s31 =	rddreg [dreg:$0xd]  }
0xfa: {  	[tilespmem:s10], [sflag:$0x1] =	stream.linear.gather [hbm4b:s31+s2], $0x480, $0x38;
	[tilespmem:$0xFC18] =	vst v63  }
0xfb: {  	s11 =	rddreg [dreg:$0xe];
	s25 =	simm.s32 $0x4C80  }
0xfc: {  	[tilespmem:s25], [sflag:$0x5] =	stream.linear.gather [hbm4b:s11+s2], $0x480, $0x38;
	[tilespmem:$0xFC18] =	vst v63  }
0xfd: {  	s31 =	rddreg [dreg:$0xf];
	s11 =	simm.s32 $0x900  }
0xfe: {  	[tilespmem:s11], [sflag:$0x1] =	stream.linear.gather [hbm4b:s31+s2], $0x480, $0x38;
	[tilespmem:$0xFC18] =	vst v63  }
0xff: {  	s21 =	simm.s32 $0x5100;
	s13 =	rddreg [dreg:$0x10]  }
0x100: {  	[tilespmem:s21], [sflag:$0x5] =	stream.linear.gather [hbm4b:s13+s2], $0x480, $0x38;
	[tilespmem:$0xFC18] =	vst v63  }
0x101: {  	s30 =	simm.s32 $0xD80;
	s31 =	rddreg [dreg:$0x11]  }
0x102: {  	[tilespmem:s30], [sflag:$0x1] =	stream.linear.gather [hbm4b:s31+s2], $0x480, $0x38;
	[tilespmem:$0xFC18] =	vst v63  }
0x103: {  	s14 =	rddreg [dreg:$0x12];
	s31 =	simm.s32 $0x5580  }
0x104: {  	[tilespmem:s31], [sflag:$0x5] =	stream.linear.gather [hbm4b:s14+s2], $0x480, $0x38;
	[tilespmem:$0xFC18] =	vst v63  }
0x105: {  	_ =	swait.ge [sflag:s6], $0x480  }
0x106: {  	[sflag:s6] =	ssyncset.done $0x0  }
0x107: {  	s13 =	simm.s32 $0x1200;
	[sflag:s6] =	ssyncadd.s32 $0xFFFFFB80  }
0x108: {  	[tilespmem:s13], [sflag:$0x2] =	stream.indirect.gather [spmem:s9], $0x1, s2, s10, $0xb8;
	[tilespmem:$0xFC18] =	vst v63  }
0x109: {  	_ =	swait.ge [sflag:s5], $0x480  }
0x10a: {  	[sflag:s5] =	ssyncset.done $0x0  }
0x10b: {  	s14 =	simm.s32 $0x5A00;
	[sflag:s5] =	ssyncadd.s32 $0xFFFFFB80  }
0x10c: {  	[tilespmem:s14], [sflag:$0x6] =	stream.indirect.gather [spmem:s8], $0x1, s28, s10, $0xb8;
	[tilespmem:$0xFC18] =	vst v63  }
0x10d: {  	_ =	swait.ge [sflag:s6], $0x480  }
0x10e: {  	[sflag:s6] =	ssyncset.done $0x0  }
0x10f: {  	s28 =	simm.s32 $0x1680;
	[sflag:s6] =	ssyncadd.s32 $0xFFFFFB80  }
0x110: {  	[tilespmem:s28], [sflag:$0x2] =	stream.indirect.gather [spmem:s9], $0x1, s10, s10, $0xb8;
	[tilespmem:$0xFC18] =	vst v63  }
0x111: {  	_ =	swait.ge [sflag:s5], $0x480  }
0x112: {  	[sflag:s5] =	ssyncset.done $0x0  }
0x113: {  	s13 =	simm.s32 $0x5E80;
	[sflag:s5] =	ssyncadd.s32 $0xFFFFFB80  }
0x114: {  	[tilespmem:s13], [sflag:$0x6] =	stream.indirect.gather [spmem:s8], $0x1, s25, s10, $0xb8;
	[tilespmem:$0xFC18] =	vst v63  }
0x115: {  	_ =	swait.ge [sflag:s6], $0x480  }
0x116: {  	[sflag:s6] =	ssyncset.done $0x0  }
0x117: {  	s25 =	simm.s32 $0x1B00;
	[sflag:s6] =	ssyncadd.s32 $0xFFFFFB80  }
0x118: {  	[tilespmem:s25], [sflag:$0x2] =	stream.indirect.gather [spmem:s9], $0x1, s11, s10, $0xb8;
	[tilespmem:$0xFC18] =	vst v63  }
0x119: {  	_ =	swait.ge [sflag:s5], $0x480  }
0x11a: {  	[sflag:s5] =	ssyncset.done $0x0  }
0x11b: {  	s11 =	simm.s32 $0x6300;
	[sflag:s5] =	ssyncadd.s32 $0xFFFFFB80  }
0x11c: {  	[tilespmem:s11], [sflag:$0x6] =	stream.indirect.gather [spmem:s8], $0x1, s21, s10, $0xb8;
	[tilespmem:$0xFC18] =	vst v63  }
0x11d: {  	_ =	swait.ge [sflag:s6], $0x480  }
0x11e: {  	[sflag:s6] =	ssyncset.done $0x0  }
0x11f: {  	s21 =	simm.s32 $0x1F80;
	[sflag:s6] =	ssyncadd.s32 $0xFFFFFB80  }
0x120: {  	[tilespmem:s21], [sflag:$0x2] =	stream.indirect.gather [spmem:s9], $0x1, s30, s10, $0xb8;
	[tilespmem:$0xFC18] =	vst v63  }
0x121: {  	_ =	swait.ge [sflag:s5], $0x480  }
0x122: {  	[sflag:s5] =	ssyncset.done $0x0  }
0x123: {  	[sflag:s5] =	ssyncadd.s32 $0xFFFFFB80  }
0x124: {  	[tilespmem:s18], [sflag:$0x6] =	stream.indirect.gather [spmem:s8], $0x1, s31, s10, $0xb8;
	[tilespmem:$0xFC18] =	vst v63  }
0x125: {  	_ =	swait.ge [sflag:s24], $0x480  }
0x126: {  	[sflag:s24] =	ssyncset.done $0x0  }
0x127: {  	s30 =	simm.s32 $0x1200;
	[sflag:s24] =	ssyncadd.s32 $0xFFFFFB80  }
0x128: {  	[tilespmem:s1], [sflag:$0x3] =	stream.indirect.gather [spmem:s4], $0x1, s30, s10, $0xb8;
	[tilespmem:$0xFC18] =	vst v63  }
0x129: {  	s0 =	rddreg [dreg:$0x13]  }
0x12a: {  	[hbm4b:s0+s2] =	stream.linear.scatter [tilespmem:s30], [sflag:$0x1], $0x480, $0x38;
	[tilespmem:$0xFC18] =	vst v63  }
0x12b: {  	_ =	swait.ge [sflag:s22], $0x480  }
0x12c: {  	[sflag:s22] =	ssyncset.done $0x0  }
0x12d: {  	s0 =	rddreg [dreg:$0x14];
	[sflag:s22] =	ssyncadd.s32 $0xFFFFFB80  }
0x12e: {  	[hbm4b:s0+s2] =	stream.linear.scatter [tilespmem:s14], [sflag:$0x5], $0x480, $0x38;
	[tilespmem:$0xFC18] =	vst v63  }
0x12f: {  	_ =	swait.ge [sflag:s24], $0x480  }
0x130: {  	[sflag:s24] =	ssyncset.done $0x0  }
0x131: {  	[sflag:s24] =	ssyncadd.s32 $0xFFFFFB80  }
0x132: {  	[tilespmem:s17], [sflag:$0x3] =	stream.indirect.gather [spmem:s4], $0x1, s28, s10, $0xb8;
	[tilespmem:$0xFC18] =	vst v63  }
0x133: {  	s14 =	rddreg [dreg:$0x15]  }
0x134: {  	[hbm4b:s14+s2] =	stream.linear.scatter [tilespmem:s28], [sflag:$0x1], $0x480, $0x38;
	[tilespmem:$0xFC18] =	vst v63  }
0x135: {  	_ =	swait.ge [sflag:s22], $0x480  }
0x136: {  	[sflag:s22] =	ssyncset.done $0x0  }
0x137: {  	s14 =	rddreg [dreg:$0x16];
	[sflag:s22] =	ssyncadd.s32 $0xFFFFFB80  }
0x138: {  	[hbm4b:s14+s2] =	stream.linear.scatter [tilespmem:s13], [sflag:$0x5], $0x480, $0x38;
	[tilespmem:$0xFC18] =	vst v63  }
0x139: {  	_ =	swait.ge [sflag:s24], $0x480  }
0x13a: {  	[sflag:s24] =	ssyncset.done $0x0  }
0x13b: {  	[sflag:s24] =	ssyncadd.s32 $0xFFFFFB80  }
0x13c: {  	[tilespmem:s16], [sflag:$0x3] =	stream.indirect.gather [spmem:s4], $0x1, s25, s10, $0xb8;
	[tilespmem:$0xFC18] =	vst v63  }
0x13d: {  	s13 =	rddreg [dreg:$0x17]  }
0x13e: {  	[hbm4b:s13+s2] =	stream.linear.scatter [tilespmem:s25], [sflag:$0x1], $0x480, $0x38;
	[tilespmem:$0xFC18] =	vst v63  }
0x13f: {  	_ =	swait.ge [sflag:s22], $0x480  }
0x140: {  	[sflag:s22] =	ssyncset.done $0x0  }
0x141: {  	s14 =	rddreg [dreg:$0x18];
	[sflag:s22] =	ssyncadd.s32 $0xFFFFFB80  }
0x142: {  	[hbm4b:s14+s2] =	stream.linear.scatter [tilespmem:s11], [sflag:$0x5], $0x480, $0x38;
	[tilespmem:$0xFC18] =	vst v63  }
0x143: {  	_ =	swait.ge [sflag:s24], $0x480  }
0x144: {  	[sflag:s24] =	ssyncset.done $0x0  }
0x145: {  	[sflag:s24] =	ssyncadd.s32 $0xFFFFFB80  }
0x146: {  	[tilespmem:s15], [sflag:$0x3] =	stream.indirect.gather [spmem:s4], $0x1, s21, s10, $0xb8;
	[tilespmem:$0xFC18] =	vst v63  }
0x147: {  	s11 =	rddreg [dreg:$0x19]  }
0x148: {  	[hbm4b:s11+s2] =	stream.linear.scatter [tilespmem:s21], [sflag:$0x1], $0x480, $0x38;
	[tilespmem:$0xFC18] =	vst v63  }
0x149: {  	_ =	swait.ge [sflag:s22], $0x480  }
0x14a: {  	[sflag:s22] =	ssyncset.done $0x0  }
0x14b: {  	s13 =	rddreg [dreg:$0x1a];
	[sflag:s22] =	ssyncadd.s32 $0xFFFFFB80  }
0x14c: {  	[hbm4b:s13+s2] =	stream.linear.scatter [tilespmem:s18], [sflag:$0x5], $0x480, $0x38;
	[tilespmem:$0xFC18] =	vst v63  }
0x14d: {  	_ =	swait.ge [sflag:s7], $0x480  }
0x14e: {  	[sflag:s7] =	ssyncset.done $0x0  }
0x14f: {  	s14 =	simm.s32 $0x3600;
	[sflag:s7] =	ssyncadd.s32 $0xFFFFFB80  }
0x150: {  	[tilespmem:s14], [sflag:$0x4] =	stream.indirect.gather [spmem:s3], $0x1, s1, s10, $0xb8;
	[tilespmem:$0xFC18] =	vst v63  }
0x151: {  	_ =	swait.ge [sflag:s7], $0x480  }
0x152: {  	[sflag:s7] =	ssyncset.done $0x0  }
0x153: {  	s13 =	simm.s32 $0x3A80;
	[sflag:s7] =	ssyncadd.s32 $0xFFFFFB80  }
0x154: {  	[tilespmem:s13], [sflag:$0x4] =	stream.indirect.gather [spmem:s3], $0x1, s17, s10, $0xb8;
	[tilespmem:$0xFC18] =	vst v63  }
0x155: {  	_ =	swait.ge [sflag:s7], $0x480  }
0x156: {  	[sflag:s7] =	ssyncset.done $0x0  }
0x157: {  	s31 =	simm.s32 $0x3F00;
	[sflag:s7] =	ssyncadd.s32 $0xFFFFFB80  }
0x158: {  	[tilespmem:s31], [sflag:$0x4] =	stream.indirect.gather [spmem:s3], $0x1, s16, s10, $0xb8;
	[tilespmem:$0xFC18] =	vst v63  }
0x159: {  	_ =	swait.ge [sflag:s7], $0x480  }
0x15a: {  	[sflag:s7] =	ssyncset.done $0x0  }
0x15b: {  	s11 =	simm.s32 $0x4380;
	[sflag:s7] =	ssyncadd.s32 $0xFFFFFB80  }
0x15c: {  	[tilespmem:s11], [sflag:$0x4] =	stream.indirect.gather [spmem:s3], $0x1, s15, s10, $0xb8;
	[tilespmem:$0xFC18] =	vst v63  }
0x15d: {  	_ =	swait.ge [sflag:s12], $0x480  }
0x15e: {  	[sflag:s12] =	ssyncset.done $0x0  }
0x15f: {  	s0 =	rddreg [dreg:$0x1b];
	[sflag:s12] =	ssyncadd.s32 $0xFFFFFB80  }
0x160: {  	[hbm4b:s0+s2] =	stream.linear.scatter [tilespmem:s14], [sflag:$0x3], $0x480, $0x38;
	[tilespmem:$0xFC18] =	vst v63  }
0x161: {  	_ =	swait.ge [sflag:s12], $0x480  }
0x162: {  	[sflag:s12] =	ssyncset.done $0x0  }
0x163: {  	s14 =	rddreg [dreg:$0x1c];
	[sflag:s12] =	ssyncadd.s32 $0xFFFFFB80  }
0x164: {  	[hbm4b:s14+s2] =	stream.linear.scatter [tilespmem:s13], [sflag:$0x3], $0x480, $0x38;
	[tilespmem:$0xFC18] =	vst v63  }
0x165: {  	_ =	swait.ge [sflag:s12], $0x480  }
0x166: {  	[sflag:s12] =	ssyncset.done $0x0  }
0x167: {  	s13 =	rddreg [dreg:$0x1d];
	[sflag:s12] =	ssyncadd.s32 $0xFFFFFB80  }
0x168: {  	[hbm4b:s13+s2] =	stream.linear.scatter [tilespmem:s31], [sflag:$0x3], $0x480, $0x38;
	[tilespmem:$0xFC18] =	vst v63  }
0x169: {  	_ =	swait.ge [sflag:s12], $0x480  }
0x16a: {  	[sflag:s12] =	ssyncset.done $0x0  }
0x16b: {  	s14 =	rddreg [dreg:$0x1e];
	[sflag:s12] =	ssyncadd.s32 $0xFFFFFB80  }
0x16c: {  	[hbm4b:s14+s2] =	stream.linear.scatter [tilespmem:s11], [sflag:$0x3], $0x480, $0x38;
	[tilespmem:$0xFC18] =	vst v63  }
0x16d: {  	_ =	swait.ge [sflag:s6], $0x480  }
0x16e: {  	[sflag:s6] =	ssyncset.done $0x0  }
0x16f: {  	[sflag:s6] =	ssyncadd.s32 $0xFFFFFB80  }
0x170: {  	_ =	swait.ge [sflag:s5], $0x480  }
0x171: {  	[sflag:s5] =	ssyncset.done $0x0  }
0x172: {  	[sflag:s5] =	ssyncadd.s32 $0xFFFFFB80  }
0x173: {  	_ =	swait.ge [sflag:s7], $0x480  }
0x174: {  	[sflag:s7] =	ssyncset.done $0x0  }
0x175: {  	[sflag:s7] =	ssyncadd.s32 $0xFFFFFB80  }
0x176: {  	_ =	swait.ge [sflag:s6], $0x480  }
0x177: {  	[sflag:s6] =	ssyncset.done $0x0  }
0x178: {  	[sflag:s6] =	ssyncadd.s32 $0xFFFFFB80  }
0x179: {  	_ =	swait.ge [sflag:s5], $0x480  }
0x17a: {  	[sflag:s5] =	ssyncset.done $0x0  }
0x17b: {  	[sflag:s5] =	ssyncadd.s32 $0xFFFFFB80  }
0x17c: {  	_ =	swait.ge [sflag:s7], $0x480  }
0x17d: {  	[sflag:s7] =	ssyncset.done $0x0  }
0x17e: {  	[sflag:s7] =	ssyncadd.s32 $0xFFFFFB80  }
0x17f: {  	_ =	swait.ge [sflag:s6], $0x480  }
0x180: {  	[sflag:s6] =	ssyncset.done $0x0  }
0x181: {  	[sflag:s6] =	ssyncadd.s32 $0xFFFFFB80  }
0x182: {  	_ =	swait.ge [sflag:s5], $0x480  }
0x183: {  	[sflag:s5] =	ssyncset.done $0x0  }
0x184: {  	[sflag:s5] =	ssyncadd.s32 $0xFFFFFB80  }
0x185: {  	_ =	swait.ge [sflag:s7], $0x480  }
0x186: {  	[sflag:s7] =	ssyncset.done $0x0  }
0x187: {  	[sflag:s7] =	ssyncadd.s32 $0xFFFFFB80  }
0x188: {  	_ =	swait.ge [sflag:s6], $0x480  }
0x189: {  	s29 =	sadd.s32 $0xFFFFFFFF, s29;
	[sflag:s6] =	ssyncset.done $0x0  }
0x18a: {  	p5 =	sne.s32 s29, $0x0;
	[sflag:s6] =	ssyncadd.s32 $0xFFFFFB80  }
.Ltmp2:
0x18b: {  	_ =	swait.ge [sflag:s5], $0x480;
	(pc) =	sbr.rel @p5 .LBB2_4-.Ltmp2, $4  }
0x18c: {  	[sflag:s5] =	ssyncset.done $0x0  }
0x18d: {  	[sflag:s5] =	ssyncadd.s32 $0xFFFFFB80  }
0x18e: {  	_ =	swait.ge [sflag:s7], $0x480  }
0x18f: {  	s31 =	rddreg [dreg:$0xa];
	[sflag:s7] =	ssyncset.done $0x0  }
0x190: {  	s15 =	sld [smem:$0x7FD];
	s20 =	stileid.u32;
	s1 =	simm.s32 $0x4380  }
0x191: {  	s11 =	simm.s32 $0x3A80;
	s13 =	simm.s32 $0x3600;
	s19 =	rddreg [dreg:$0x1f]  }
0x192: {  	s14 =	simm.s32 $0x3180;
	s23 =	simm.s32 $0x6300;
	s16 =	sld [smem:$0x7FA]  }
0x193: {  	s26 =	simm.s32 $0x5E80;
	s29 =	simm.s32 $0x5A00;
	s17 =	sld [smem:$0x7FB]  }
.LBB2_6:
0x194: {  	_ = 	snop  }
0x195: {  	[sflag:s7] =	ssyncadd.s32 @p4 $0xFFFFFB80;
	s0 =	simm.s32 @!p3 $0x1C87  }
0x196: {  	[spmem:s17], [sflag:s0] =	dma.local @!p3 [hbm:s31], $0x4810  }
0x197: {  	s0 =	simm.s32 @!p3 $0x7  }
0x198: {  	_ =	swait.ge @!p3 [sflag:s0], $0x4810  }
0x199: {  	[sflag:s0] =	ssyncset.done @!p3 $0x0  }
0x19a: {  	s18 =	rddreg [dreg:$0x7];
	[sflag:s0] =	ssyncadd.s32 @!p3 $0xFFFFB7F0;
	s0 =	simm.s32 @!p2 $0x1CC7  }
0x19b: {  	[spmem:s16], [sflag:s0] =	dma.local @!p2 [hbm:s18], $0x4800  }
0x19c: {  	s0 =	simm.s32 @!p2 $0x7  }
0x19d: {  	_ =	swait.ge @!p2 [sflag:s0], $0x4800  }
0x19e: {  	[sflag:s0] =	ssyncset.done @!p2 $0x0  }
0x19f: {  	s17 =	rddreg [dreg:$0x8];
	[sflag:s0] =	ssyncadd.s32 @!p2 $0xFFFFB800;
	s0 =	simm.s32 @!p1 $0x1C07  }
0x1a0: {  	[spmem:s15], [sflag:s0] =	dma.local @!p1 [hbm:s17], $0x4810  }
0x1a1: {  	s0 =	simm.s32 @!p1 $0x7  }
0x1a2: {  	_ =	swait.ge @!p1 [sflag:s0], $0x4810  }
0x1a3: {  	[sflag:s0] =	ssyncset.done @!p1 $0x0  }
0x1a4: {  	s16 =	rddreg [dreg:$0x9];
	[sflag:s0] =	ssyncadd.s32 @!p1 $0xFFFFB7F0;
	s0 =	simm.s32 @!p0 $0x1C47  }
0x1a5: {  	[spmem:s19], [sflag:s0] =	dma.local @!p0 [hbm:s16], $0x4810  }
0x1a6: {  	s0 =	simm.s32 @!p0 $0x7  }
0x1a7: {  	_ =	swait.ge @!p0 [sflag:s0], $0x4810  }
0x1a8: {  	[sflag:s0] =	ssyncset.done @!p0 $0x0  }
0x1a9: {  	[sflag:s0] =	ssyncadd.s32 @!p0 $0xFFFFB7F0  }
0x1aa: {  	[bflag:$0x0] =	sbarrier.arrive $0xFFFF  }
0x1ab: {  	s17 =	rddreg [dreg:$0xb]  }
0x1ac: {  	[tilespmem:s2], [sflag:$0x1] =	stream.linear.gather [hbm4b:s17+s2], $0x480, $0x38;
	[tilespmem:$0xFC18] =	vst v63  }
0x1ad: {  	s19 =	simm.s32 $0x4800;
	s18 =	rddreg [dreg:$0xc]  }
0x1ae: {  	[tilespmem:s19], [sflag:$0x5] =	stream.linear.gather [hbm4b:s18+s2], $0x480, $0x38;
	[tilespmem:$0xFC18] =	vst v63  }
0x1af: {  	s31 =	rddreg [dreg:$0xd]  }
0x1b0: {  	[tilespmem:s10], [sflag:$0x1] =	stream.linear.gather [hbm4b:s31+s2], $0x480, $0x38;
	[tilespmem:$0xFC18] =	vst v63  }
0x1b1: {  	s16 =	rddreg [dreg:$0xe];
	s31 =	simm.s32 $0x4C80  }
0x1b2: {  	[tilespmem:s31], [sflag:$0x5] =	stream.linear.gather [hbm4b:s16+s2], $0x480, $0x38;
	[tilespmem:$0xFC18] =	vst v63  }
0x1b3: {  	s17 =	rddreg [dreg:$0xf];
	s18 =	simm.s32 $0x900  }
0x1b4: {  	[tilespmem:s18], [sflag:$0x1] =	stream.linear.gather [hbm4b:s17+s2], $0x480, $0x38;
	[tilespmem:$0xFC18] =	vst v63  }
0x1b5: {  	s16 =	rddreg [dreg:$0x10];
	s17 =	simm.s32 $0x5100  }
0x1b6: {  	[tilespmem:s17], [sflag:$0x5] =	stream.linear.gather [hbm4b:s16+s2], $0x480, $0x38;
	[tilespmem:$0xFC18] =	vst v63  }
0x1b7: {  	s0 =	rddreg [dreg:$0x11];
	s16 =	simm.s32 $0xD80  }
0x1b8: {  	[tilespmem:s16], [sflag:$0x1] =	stream.linear.gather [hbm4b:s0+s2], $0x480, $0x38;
	[tilespmem:$0xFC18] =	vst v63  }
0x1b9: {  	s15 =	rddreg [dreg:$0x12];
	s0 =	simm.s32 $0x5580  }
0x1ba: {  	[tilespmem:s0], [sflag:$0x5] =	stream.linear.gather [hbm4b:s15+s2], $0x480, $0x38;
	[tilespmem:$0xFC18] =	vst v63  }
0x1bb: {  	_ =	swait.ge [sflag:s6], $0x480  }
0x1bc: {  	[sflag:s6] =	ssyncset.done $0x0  }
0x1bd: {  	[sflag:s6] =	ssyncadd.s32 $0xFFFFFB80  }
0x1be: {  	[tilespmem:s30], [sflag:$0x2] =	stream.indirect.gather [spmem:s9], $0x1, s2, s10, $0xb8;
	[tilespmem:$0xFC18] =	vst v63  }
0x1bf: {  	_ =	swait.ge [sflag:s5], $0x480  }
0x1c0: {  	[sflag:s5] =	ssyncset.done $0x0  }
0x1c1: {  	[sflag:s5] =	ssyncadd.s32 $0xFFFFFB80  }
0x1c2: {  	[tilespmem:s29], [sflag:$0x6] =	stream.indirect.gather [spmem:s8], $0x1, s19, s10, $0xb8;
	[tilespmem:$0xFC18] =	vst v63  }
0x1c3: {  	_ =	swait.ge [sflag:s6], $0x480  }
0x1c4: {  	[sflag:s6] =	ssyncset.done $0x0  }
0x1c5: {  	[sflag:s6] =	ssyncadd.s32 $0xFFFFFB80  }
0x1c6: {  	[tilespmem:s28], [sflag:$0x2] =	stream.indirect.gather [spmem:s9], $0x1, s10, s10, $0xb8;
	[tilespmem:$0xFC18] =	vst v63  }
0x1c7: {  	_ =	swait.ge [sflag:s5], $0x480  }
0x1c8: {  	[sflag:s5] =	ssyncset.done $0x0  }
0x1c9: {  	[sflag:s5] =	ssyncadd.s32 $0xFFFFFB80  }
0x1ca: {  	[tilespmem:s26], [sflag:$0x6] =	stream.indirect.gather [spmem:s8], $0x1, s31, s10, $0xb8;
	[tilespmem:$0xFC18] =	vst v63  }
0x1cb: {  	_ =	swait.ge [sflag:s6], $0x480  }
0x1cc: {  	[sflag:s6] =	ssyncset.done $0x0  }
0x1cd: {  	[sflag:s6] =	ssyncadd.s32 $0xFFFFFB80  }
0x1ce: {  	[tilespmem:s25], [sflag:$0x2] =	stream.indirect.gather [spmem:s9], $0x1, s18, s10, $0xb8;
	[tilespmem:$0xFC18] =	vst v63  }
0x1cf: {  	_ =	swait.ge [sflag:s5], $0x480  }
0x1d0: {  	[sflag:s5] =	ssyncset.done $0x0  }
0x1d1: {  	[sflag:s5] =	ssyncadd.s32 $0xFFFFFB80  }
0x1d2: {  	[tilespmem:s23], [sflag:$0x6] =	stream.indirect.gather [spmem:s8], $0x1, s17, s10, $0xb8;
	[tilespmem:$0xFC18] =	vst v63  }
0x1d3: {  	_ =	swait.ge [sflag:s6], $0x480  }
0x1d4: {  	[sflag:s6] =	ssyncset.done $0x0  }
0x1d5: {  	[sflag:s6] =	ssyncadd.s32 $0xFFFFFB80  }
0x1d6: {  	[tilespmem:s21], [sflag:$0x2] =	stream.indirect.gather [spmem:s9], $0x1, s16, s10, $0xb8;
	[tilespmem:$0xFC18] =	vst v63  }
0x1d7: {  	_ =	swait.ge [sflag:s5], $0x480  }
0x1d8: {  	[sflag:s5] =	ssyncset.done $0x0  }
0x1d9: {  	s16 =	simm.s32 $0x6780;
	[sflag:s5] =	ssyncadd.s32 $0xFFFFFB80  }
0x1da: {  	[tilespmem:s16], [sflag:$0x6] =	stream.indirect.gather [spmem:s8], $0x1, s0, s10, $0xb8;
	[tilespmem:$0xFC18] =	vst v63  }
0x1db: {  	_ =	swait.ge [sflag:s24], $0x480  }
0x1dc: {  	[sflag:s24] =	ssyncset.done $0x0  }
0x1dd: {  	s9 =	simm.s32 $0x2400;
	[sflag:s24] =	ssyncadd.s32 $0xFFFFFB80  }
0x1de: {  	[tilespmem:s9], [sflag:$0x3] =	stream.indirect.gather [spmem:s4], $0x1, s30, s10, $0xb8;
	[tilespmem:$0xFC18] =	vst v63  }
0x1df: {  	s8 =	rddreg [dreg:$0x13]  }
0x1e0: {  	[hbm4b:s8+s2] =	stream.linear.scatter [tilespmem:s30], [sflag:$0x1], $0x480, $0x38;
	[tilespmem:$0xFC18] =	vst v63  }
0x1e1: {  	_ =	swait.ge [sflag:s22], $0x480  }
0x1e2: {  	[sflag:s22] =	ssyncset.done $0x0  }
0x1e3: {  	s19 =	rddreg [dreg:$0x14];
	[sflag:s22] =	ssyncadd.s32 $0xFFFFFB80  }
0x1e4: {  	[hbm4b:s19+s2] =	stream.linear.scatter [tilespmem:s29], [sflag:$0x5], $0x480, $0x38;
	[tilespmem:$0xFC18] =	vst v63  }
0x1e5: {  	_ =	swait.ge [sflag:s24], $0x480  }
0x1e6: {  	[sflag:s24] =	ssyncset.done $0x0  }
0x1e7: {  	s31 =	simm.s32 $0x2880;
	[sflag:s24] =	ssyncadd.s32 $0xFFFFFB80  }
0x1e8: {  	[tilespmem:s31], [sflag:$0x3] =	stream.indirect.gather [spmem:s4], $0x1, s28, s10, $0xb8;
	[tilespmem:$0xFC18] =	vst v63  }
0x1e9: {  	s30 =	rddreg [dreg:$0x15]  }
0x1ea: {  	[hbm4b:s30+s2] =	stream.linear.scatter [tilespmem:s28], [sflag:$0x1], $0x480, $0x38;
	[tilespmem:$0xFC18] =	vst v63  }
0x1eb: {  	_ =	swait.ge [sflag:s22], $0x480  }
0x1ec: {  	[sflag:s22] =	ssyncset.done $0x0  }
0x1ed: {  	s8 =	rddreg [dreg:$0x16];
	[sflag:s22] =	ssyncadd.s32 $0xFFFFFB80  }
0x1ee: {  	[hbm4b:s8+s2] =	stream.linear.scatter [tilespmem:s26], [sflag:$0x5], $0x480, $0x38;
	[tilespmem:$0xFC18] =	vst v63  }
0x1ef: {  	_ =	swait.ge [sflag:s24], $0x480  }
0x1f0: {  	[sflag:s24] =	ssyncset.done $0x0  }
0x1f1: {  	s18 =	simm.s32 $0x2D00;
	[sflag:s24] =	ssyncadd.s32 $0xFFFFFB80  }
0x1f2: {  	[tilespmem:s18], [sflag:$0x3] =	stream.indirect.gather [spmem:s4], $0x1, s25, s10, $0xb8;
	[tilespmem:$0xFC18] =	vst v63  }
0x1f3: {  	s17 =	rddreg [dreg:$0x17]  }
0x1f4: {  	[hbm4b:s17+s2] =	stream.linear.scatter [tilespmem:s25], [sflag:$0x1], $0x480, $0x38;
	[tilespmem:$0xFC18] =	vst v63  }
0x1f5: {  	_ =	swait.ge [sflag:s22], $0x480  }
0x1f6: {  	[sflag:s22] =	ssyncset.done $0x0  }
0x1f7: {  	s19 =	rddreg [dreg:$0x18];
	[sflag:s22] =	ssyncadd.s32 $0xFFFFFB80  }
0x1f8: {  	[hbm4b:s19+s2] =	stream.linear.scatter [tilespmem:s23], [sflag:$0x5], $0x480, $0x38;
	[tilespmem:$0xFC18] =	vst v63  }
0x1f9: {  	_ =	swait.ge [sflag:s24], $0x480  }
0x1fa: {  	[sflag:s24] =	ssyncset.done $0x0  }
0x1fb: {  	[sflag:s24] =	ssyncadd.s32 $0xFFFFFB80  }
0x1fc: {  	[tilespmem:s14], [sflag:$0x3] =	stream.indirect.gather [spmem:s4], $0x1, s21, s10, $0xb8;
	[tilespmem:$0xFC18] =	vst v63  }
0x1fd: {  	s24 =	rddreg [dreg:$0x19]  }
0x1fe: {  	[hbm4b:s24+s2] =	stream.linear.scatter [tilespmem:s21], [sflag:$0x1], $0x480, $0x38;
	[tilespmem:$0xFC18] =	vst v63  }
0x1ff: {  	_ =	swait.ge [sflag:s22], $0x480  }
0x200: {  	[sflag:s22] =	ssyncset.done $0x0  }
0x201: {  	s25 =	rddreg [dreg:$0x1a];
	[sflag:s22] =	ssyncadd.s32 $0xFFFFFB80  }
0x202: {  	[hbm4b:s25+s2] =	stream.linear.scatter [tilespmem:s16], [sflag:$0x5], $0x480, $0x38;
	[tilespmem:$0xFC18] =	vst v63  }
0x203: {  	_ =	swait.ge [sflag:s7], $0x480  }
0x204: {  	[sflag:s7] =	ssyncset.done $0x0  }
0x205: {  	[sflag:s7] =	ssyncadd.s32 $0xFFFFFB80  }
0x206: {  	[tilespmem:s13], [sflag:$0x4] =	stream.indirect.gather [spmem:s3], $0x1, s9, s10, $0xb8;
	[tilespmem:$0xFC18] =	vst v63  }
0x207: {  	_ =	swait.ge [sflag:s7], $0x480  }
0x208: {  	[sflag:s7] =	ssyncset.done $0x0  }
0x209: {  	[sflag:s7] =	ssyncadd.s32 $0xFFFFFB80  }
0x20a: {  	[tilespmem:s11], [sflag:$0x4] =	stream.indirect.gather [spmem:s3], $0x1, s31, s10, $0xb8;
	[tilespmem:$0xFC18] =	vst v63  }
0x20b: {  	_ =	swait.ge [sflag:s7], $0x480  }
0x20c: {  	[sflag:s7] =	ssyncset.done $0x0  }
0x20d: {  	s26 =	simm.s32 $0x3F00;
	[sflag:s7] =	ssyncadd.s32 $0xFFFFFB80  }
0x20e: {  	[tilespmem:s26], [sflag:$0x4] =	stream.indirect.gather [spmem:s3], $0x1, s18, s10, $0xb8;
	[tilespmem:$0xFC18] =	vst v63  }
0x20f: {  	_ =	swait.ge [sflag:s7], $0x480  }
0x210: {  	[sflag:s7] =	ssyncset.done $0x0  }
0x211: {  	[sflag:s7] =	ssyncadd.s32 $0xFFFFFB80  }
0x212: {  	[tilespmem:s1], [sflag:$0x4] =	stream.indirect.gather [spmem:s3], $0x1, s14, s10, $0xb8;
	[tilespmem:$0xFC18] =	vst v63  }
0x213: {  	_ =	swait.ge [sflag:s12], $0x480  }
0x214: {  	[sflag:s12] =	ssyncset.done $0x0  }
0x215: {  	s28 =	rddreg [dreg:$0x1b];
	[sflag:s12] =	ssyncadd.s32 $0xFFFFFB80  }
0x216: {  	[hbm4b:s28+s2] =	stream.linear.scatter [tilespmem:s13], [sflag:$0x3], $0x480, $0x38;
	[tilespmem:$0xFC18] =	vst v63  }
0x217: {  	_ =	swait.ge [sflag:s12], $0x480  }
0x218: {  	[sflag:s12] =	ssyncset.done $0x0  }
0x219: {  	s29 =	rddreg [dreg:$0x1c];
	[sflag:s12] =	ssyncadd.s32 $0xFFFFFB80  }
0x21a: {  	[hbm4b:s29+s2] =	stream.linear.scatter [tilespmem:s11], [sflag:$0x3], $0x480, $0x38;
	[tilespmem:$0xFC18] =	vst v63  }
0x21b: {  	_ =	swait.ge [sflag:s12], $0x480  }
0x21c: {  	[sflag:s12] =	ssyncset.done $0x0  }
0x21d: {  	s30 =	rddreg [dreg:$0x1d];
	[sflag:s12] =	ssyncadd.s32 $0xFFFFFB80  }
0x21e: {  	[hbm4b:s30+s2] =	stream.linear.scatter [tilespmem:s26], [sflag:$0x3], $0x480, $0x38;
	[tilespmem:$0xFC18] =	vst v63  }
0x21f: {  	_ =	swait.ge [sflag:s12], $0x480  }
0x220: {  	[sflag:s12] =	ssyncset.done $0x0  }
0x221: {  	s31 =	rddreg [dreg:$0x1e];
	[sflag:s12] =	ssyncadd.s32 $0xFFFFFB80  }
0x222: {  	[hbm4b:s31+s2] =	stream.linear.scatter [tilespmem:s1], [sflag:$0x3], $0x480, $0x38;
	[tilespmem:$0xFC18] =	vst v63  }
0x223: {  	_ =	swait.ge [sflag:s6], $0x480  }
0x224: {  	[sflag:s6] =	ssyncset.done $0x0  }
0x225: {  	[sflag:s6] =	ssyncadd.s32 $0xFFFFFB80  }
0x226: {  	_ =	swait.ge [sflag:s5], $0x480  }
0x227: {  	[sflag:s5] =	ssyncset.done $0x0  }
0x228: {  	[sflag:s5] =	ssyncadd.s32 $0xFFFFFB80  }
0x229: {  	_ =	swait.ge [sflag:s7], $0x480  }
0x22a: {  	[sflag:s7] =	ssyncset.done $0x0  }
0x22b: {  	[sflag:s7] =	ssyncadd.s32 $0xFFFFFB80  }
0x22c: {  	_ =	swait.ge [sflag:s6], $0x480  }
0x22d: {  	[sflag:s6] =	ssyncset.done $0x0  }
0x22e: {  	[sflag:s6] =	ssyncadd.s32 $0xFFFFFB80  }
0x22f: {  	_ =	swait.ge [sflag:s5], $0x480  }
0x230: {  	[sflag:s5] =	ssyncset.done $0x0  }
0x231: {  	[sflag:s5] =	ssyncadd.s32 $0xFFFFFB80  }
0x232: {  	_ =	swait.ge [sflag:s7], $0x480  }
0x233: {  	[sflag:s7] =	ssyncset.done $0x0  }
0x234: {  	[sflag:s7] =	ssyncadd.s32 $0xFFFFFB80  }
0x235: {  	_ =	swait.ge [sflag:s6], $0x480  }
0x236: {  	[sflag:s6] =	ssyncset.done $0x0  }
0x237: {  	[sflag:s6] =	ssyncadd.s32 $0xFFFFFB80  }
0x238: {  	_ =	swait.ge [sflag:s5], $0x480  }
0x239: {  	[sflag:s5] =	ssyncset.done $0x0  }
0x23a: {  	[sflag:s5] =	ssyncadd.s32 $0xFFFFFB80  }
0x23b: {  	_ =	swait.ge [sflag:s7], $0x480  }
0x23c: {  	[sflag:s7] =	ssyncset.done $0x0  }
0x23d: {  	[sflag:s7] =	ssyncadd.s32 $0xFFFFFB80  }
0x23e: {  	_ =	swait.ge [sflag:s6], $0x480  }
0x23f: {  	[sflag:s6] =	ssyncset.done $0x0  }
0x240: {  	[sflag:s6] =	ssyncadd.s32 $0xFFFFFB80  }
0x241: {  	_ =	swait.ge [sflag:s5], $0x480  }
0x242: {  	[sflag:s5] =	ssyncset.done $0x0  }
0x243: {  	[sflag:s5] =	ssyncadd.s32 $0xFFFFFB80  }
0x244: {  	_ =	swait.ge [sflag:s7], $0x480  }
0x245: {  	[sflag:s7] =	ssyncset.done $0x0  }
0x246: {  	[sflag:s7] =	ssyncadd.s32 $0xFFFFFB80  }
0x247: {  	_ =	sfence.sel $0x180000  }
0x248: {  	[bflag:$0x0] =	sbarrier.arrive $0xFFFF  }
0x249: {  	_ =	strace $0x9000004A  }
0x24a: {  	[bflag:$0x2] =	sbarrier.arrive $0xFFFF  }
0x24b: {  	p0 =	sne.s32 s20, $0x0;
	s0 =	rddreg [dreg:$0x6]  }
0x24c: {  	s0 =	sadd.s32 @!p0 $0x100000, s0  }
0x24d: {  	[sflag:s0] =	ssyncadd.tile.s32 @!p0 $0x1;
	_ =	shalt  }
.LBB2_1:
.Ltmp3:
0x24e: {  	(pc) =	sbr.rel .LBB2_6-.Ltmp3, $2  }
0x24f: {  	_ =	sdelay $0x2  }
0x250: {  	s15 =	sld [smem:$0x7FD]  }
.LBB2_3:
.Ltmp4:
0x251: {  	(pc) =	sbr.rel .LBB2_6-.Ltmp4, $4  }
0x252: {  	s15 =	sld [smem:$0x7FD];
	s20 =	stileid.u32;
	s1 =	simm.s32 $0x4380  }
0x253: {  	s11 =	simm.s32 $0x3A80;
	s13 =	simm.s32 $0x3600;
	s19 =	rddreg [dreg:$0x1f]  }
0x254: {  	s14 =	simm.s32 $0x3180;
	s23 =	simm.s32 $0x6300;
	s16 =	sld [smem:$0x7FA]  }
0x255: {  	s26 =	simm.s32 $0x5E80;
	s29 =	simm.s32 $0x5A00;
	s17 =	sld [smem:$0x7FB]  }
.Lfunc_end2:
_tile_overlayer_lowered:
.L_overlay_start_2:
0x256: {  	(tag) =	ssettag $0x2  }
0x257: {  	s0 =	rddreg [dreg:$0x0];
	s2 =	stileid.u32  }
0x258: {  	s1 =	rddreg [dreg:$0x1];
	p0 =	sne.s32 s2, $0x0  }
0x259: {  	s3 =	rddreg [dreg:$0x2];
	[bflag:$0x3] =	sbarrier.arrive $0xFFFF;
	s2 =	simm.s32 @!p0 $0x1C07  }
0x25a: {  	[timem:s3], [sflag:s2] =	dma.local @!p0 [hbm:s0], s1  }
0x25b: {  	s0 =	simm.s32 @!p0 $0x7  }
0x25c: {  	_ =	swait.ge @!p0 [sflag:s0], s1  }
0x25d: {  	s1 =	ssub.s32 @!p0 $0x0, s1;
	[sflag:s0] =	ssyncset.done @!p0 $0x0  }
0x25e: {  	[sflag:s0] =	ssyncadd.s32 @!p0 s1  }
0x25f: {  	[bflag:$0x3] =	sbarrier.arrive $0xFFFF  }
0x260: {  	_ =	shalt  }

</sc_bundles>
